<compile_context>
chip_gen: v7x
topology: tpu7x:2x2x1
jax: 0.10.2.dev20260603
libtpu: 0.0.44.dev20260713+nightly
codegen_flags: <defaults>
</compile_context>

<pallas_src>
import functools

import jax
import jax.numpy as jnp
from jax import lax
from jax.experimental import pallas as pl
from jax.experimental.pallas import tpu as pltpu
from jax.experimental.pallas import tpu_sc as plsc

_VOCAB = 1000
_EMB = 128
_B = 1024
_VP = 1024
_NC = 2
_NS = 16
_NW = _NC * _NS
_RPW = _B // _NW
_L = 16


def _expg_body(v_ref, ut_ref, out_ref):
    g = jnp.dot(v_ref[...], ut_ref[...],
                preferred_element_type=jnp.float32,
                precision=lax.Precision.HIGHEST)
    col = lax.broadcasted_iota(jnp.int32, (_VOCAB, _VP), 1)
    out_ref[...] = jnp.where(col < _VOCAB, jnp.exp(g), 0.0)


def _sc_body(e_hbm, cidx_hbm, tidx_hbm, av_hbm, sums_out, scores_out,
             cidx_v, tidx_v, av_v, erows_v, sums_v, scores_v,
             sem_c, sem_a, sem_t, sem_e):
    wid = lax.axis_index("s") * _NC + lax.axis_index("c")
    base = wid * _RPW
    cp_c = pltpu.async_copy(cidx_hbm.at[pl.ds(base, _RPW)], cidx_v, sem_c)
    cp_a = pltpu.async_copy(av_hbm.at[pl.ds(base * _VOCAB, _RPW * _VOCAB)],
                            av_v.at[pl.ds(0, _RPW * _VOCAB)], sem_a)
    cp_t = pltpu.async_copy(tidx_hbm.at[pl.ds(base, _RPW)], tidx_v, sem_t)
    cp_c.wait()
    cp_e = pltpu.async_copy(e_hbm.at[cidx_v], erows_v, sem_e)
    cp_a.wait()
    cp_e.wait()

    nfull = _VOCAB // _L
    rem = _VOCAB - nfull * _L
    lmask = lax.iota(jnp.int32, _L) < rem

    def row_body(r, carry):
        rvec = jnp.full((_L,), r, dtype=jnp.int32)
        accs = [jnp.zeros((_L,), jnp.float32) for _ in range(4)]
        for ch in range(nfull):
            idx = av_v[pl.ds(r * _VOCAB + ch * _L, _L)]
            accs[ch % 4] = accs[ch % 4] + plsc.load_gather(erows_v, [rvec, idx])
        idx = av_v[pl.ds(r * _VOCAB + nfull * _L, _L)]
        idx = lax.bitwise_and(idx, _VP - 1)
        g = plsc.load_gather(erows_v, [rvec, idx], mask=lmask)
        accs[0] = accs[0] + jnp.where(lmask, g, 0.0)
        sums_v[pl.ds(r * _L, _L)] = (accs[0] + accs[1]) + (accs[2] + accs[3])
        return carry

    lax.fori_loop(0, _RPW, row_body, 0)

    cp_t.wait()
    for g2 in range(_RPW // _L):
        rows = lax.iota(jnp.int32, _L) + g2 * _L
        tv = tidx_v[pl.ds(g2 * _L, _L)]
        scores_v[pl.ds(g2 * _L, _L)] = plsc.load_gather(erows_v, [rows, tv])

    pltpu.sync_copy(sums_v, sums_out.at[pl.ds(base * _L, _RPW * _L)])
    pltpu.sync_copy(scores_v, scores_out.at[pl.ds(base, _RPW)])


_sc_call = functools.partial(
    pl.kernel,
    out_type=[jax.ShapeDtypeStruct((_B * _L,), jnp.float32),
              jax.ShapeDtypeStruct((_B,), jnp.float32)],
    mesh=plsc.VectorSubcoreMesh(core_axis_name="c", subcore_axis_name="s"),
    compiler_params=pltpu.CompilerParams(use_tc_tiling_on_sc=False,
                                         needs_layout_passes=False),
    scratch_types=[
        pltpu.VMEM((_RPW,), jnp.int32),
        pltpu.VMEM((_RPW,), jnp.int32),
        pltpu.VMEM((_RPW * _VOCAB + _L,), jnp.int32),
        pltpu.VMEM((_RPW, _VP), jnp.float32),
        pltpu.VMEM((_RPW * _L,), jnp.float32),
        pltpu.VMEM((_RPW,), jnp.float32),
        pltpu.SemaphoreType.DMA,
        pltpu.SemaphoreType.DMA,
        pltpu.SemaphoreType.DMA,
        pltpu.SemaphoreType.DMA,
    ],
)(_sc_body)


def _nll_body(part_ref, esc_ref, out_ref):
    s = jnp.sum(part_ref[...], axis=1, keepdims=True)
    total = jnp.sum(jnp.log(esc_ref[...])) - jnp.sum(jnp.log(s))
    out_ref[0, 0] = -(total / _B)


def kernel(center_words, target_words, all_vocabs, emb_v, emb_u):
    cidx = center_words.reshape(_B).astype(jnp.int32)
    tidx = target_words.reshape(_B).astype(jnp.int32)
    av = all_vocabs.astype(jnp.int32).reshape(_B * _VOCAB)
    ut = jnp.zeros((_EMB, _VP), jnp.float32).at[:, :_VOCAB].set(
        emb_u.astype(jnp.float32).T)

    e_mat = pl.pallas_call(
        _expg_body,
        out_shape=jax.ShapeDtypeStruct((_VOCAB, _VP), jnp.float32),
    )(emb_v.astype(jnp.float32), ut)

    sums_flat, e_scores = _sc_call(e_mat, cidx, tidx, av)

    out = pl.pallas_call(
        _nll_body,
        out_shape=jax.ShapeDtypeStruct((1, 1), jnp.float32),
        out_specs=pl.BlockSpec(memory_space=pltpu.SMEM),
    )(sums_flat.reshape(_B, _L), e_scores.reshape(8, 128))
    return out[0, 0]

# --- scband reference (transcript-rebuilt; emitter-appended) ---
"""Pipeline reference for scband-skipgram-31267361915356 (READ-ONLY COPY).

The authoritative reference and input builder live on the scoring server;
editing this copy changes nothing except your own understanding.
"""

import jax, jax.numpy as jnp
import numpy as np

VOCAB = 1000
EMB = 128
B = 1024

def setup_inputs(seed: int = 0) -> dict:
    key = jax.random.key(seed)
    k1, k2, k3, k4, k5 = jax.random.split(key, 5)
    center_words = jax.random.randint(k1, (B, 1), 0, VOCAB)
    target_words = jax.random.randint(k2, (B, 1), 0, VOCAB)
    all_vocabs = jax.random.randint(k3, (B, VOCAB), 0, VOCAB)
    # learned parameters (nn.Embedding weights), scaled to keep exp() in range
    emb_v = jax.random.normal(k4, (VOCAB, EMB), dtype=jnp.float32) * 0.1
    emb_u = jax.random.normal(k5, (VOCAB, EMB), dtype=jnp.float32) * 0.1
    return {"center_words": center_words, "target_words": target_words,
            "all_vocabs": all_vocabs, "emb_v": emb_v, "emb_u": emb_u}

def reference(center_words, target_words, all_vocabs, emb_v, emb_u):
    # embedding lookups (gathers)
    center_embeds = jnp.take(emb_v, center_words, axis=0)   # [B, 1, E]
    target_embeds = jnp.take(emb_u, target_words, axis=0)   # [B, 1, E]
    all_embeds = jnp.take(emb_u, all_vocabs, axis=0)         # [B, V, E]
    # scores = target_embeds.bmm(center_embeds.transpose(1,2)).squeeze(2)
    scores = jnp.squeeze(jnp.einsum('bte,bce->btc', target_embeds, center_embeds), axis=2)  # [B, 1]
    # norm_scores = all_embeds.bmm(center_embeds.transpose(1,2)).squeeze(2)
    norm_scores = jnp.squeeze(jnp.einsum('bve,bce->bvc', all_embeds, center_embeds), axis=2)  # [B, V]
    nll = -jnp.mean(jnp.log(jnp.exp(scores) / jnp.sum(jnp.exp(norm_scores), axis=1)[:, None]))
    return nll

if __name__ == "__main__":
    import jax
    _d = setup_inputs()
    print(jax.jit(kernel)(*tuple(_d.values())))

</pallas_src>

<mosaic_0001>
#map = affine_map<(d0, d1) -> (0, 0)>
#map1 = affine_map<(d0, d1) -> (0)>
module attributes {stable_mosaic.version = 14 : i64} {
  func.func @_sc_body(%arg0: i32, %arg1: i32, %arg2: memref<1000x1024xf32, #tpu.memory_space<hbm>>, %arg3: memref<1024xi32, #tpu.memory_space<hbm>>, %arg4: memref<1024xi32, #tpu.memory_space<hbm>>, %arg5: memref<1024000xi32, #tpu.memory_space<hbm>>, %arg6: memref<16384xf32, #tpu.memory_space<hbm>>, %arg7: memref<1024xf32, #tpu.memory_space<hbm>>, %arg8: memref<32xi32, #tpu.memory_space<vmem>>, %arg9: memref<32xi32, #tpu.memory_space<vmem>>, %arg10: memref<32016xi32, #tpu.memory_space<vmem>>, %arg11: memref<32x1024xf32, #tpu.memory_space<vmem>>, %arg12: memref<512xf32, #tpu.memory_space<vmem>>, %arg13: memref<32xf32, #tpu.memory_space<vmem>>, %arg14: memref<!tpu.dma_semaphore, #tpu.memory_space<semaphore_mem>>, %arg15: memref<!tpu.dma_semaphore, #tpu.memory_space<semaphore_mem>>, %arg16: memref<!tpu.dma_semaphore, #tpu.memory_space<semaphore_mem>>, %arg17: memref<!tpu.dma_semaphore, #tpu.memory_space<semaphore_mem>>) attributes {dimension_semantics = [#tpu.dimension_semantics<core_parallel>, #tpu.dimension_semantics<subcore_parallel>], iteration_bounds = array<i64: 2, 16>, scalar_prefetch = 0 : i64, scratch_operands = 10 : i64, tpu.core_type = #tpu.core_type<sc_vector_subcore>, window_params = [{transform_indices = #map}, {transform_indices = #map1}, {transform_indices = #map1}, {transform_indices = #map1}, {transform_indices = #map1}, {transform_indices = #map1}]} {
    %mul3A = arith.constant 2 : i32
    %mul3A_0 = arith.muli %arg1, %mul3A : i32
    %add3A = arith.addi %mul3A_0, %arg0 : i32
    %mul3A_1 = arith.constant 32 : i32
    %mul3A_2 = arith.muli %add3A, %mul3A_1 : i32
    %dma_start3A = tpu.memref_slice %arg3[%mul3A_2] : memref<1024xi32, #tpu.memory_space<hbm>> -> memref<32xi32, #tpu.memory_space<hbm>>
    %dma_start3A_3 = tpu.memref_slice %arg3[%mul3A_2] : memref<1024xi32, #tpu.memory_space<hbm>> -> memref<32xi32, #tpu.memory_space<hbm>>
    tpu.enqueue_dma source(%dma_start3A_3 : memref<32xi32, #tpu.memory_space<hbm>>) target(%arg8 : memref<32xi32, #tpu.memory_space<vmem>>) target_semaphore(%arg14 : memref<!tpu.dma_semaphore, #tpu.memory_space<semaphore_mem>>)
    %mul3A_4 = arith.constant 1000 : i32
    %mul3A_5 = arith.muli %mul3A_2, %mul3A_4 : i32
    %dma_start3A_6 = arith.constant 0 : i32
    %dma_start3A_7 = tpu.memref_slice %arg10[%dma_start3A_6] : memref<32016xi32, #tpu.memory_space<vmem>> -> memref<32000xi32, #tpu.memory_space<vmem>>
    %dma_start3A_8 = tpu.memref_slice %arg5[%mul3A_5] : memref<1024000xi32, #tpu.memory_space<hbm>> -> memref<32000xi32, #tpu.memory_space<hbm>>
    %dma_start3A_9 = arith.constant 0 : i32
    %dma_start3A_10 = tpu.memref_slice %arg10[%dma_start3A_9] : memref<32016xi32, #tpu.memory_space<vmem>> -> memref<32000xi32, #tpu.memory_space<vmem>>
    %dma_start3A_11 = tpu.memref_slice %arg5[%mul3A_5] : memref<1024000xi32, #tpu.memory_space<hbm>> -> memref<32000xi32, #tpu.memory_space<hbm>>
    tpu.enqueue_dma source(%dma_start3A_11 : memref<32000xi32, #tpu.memory_space<hbm>>) target(%dma_start3A_10 : memref<32000xi32, #tpu.memory_space<vmem>>) target_semaphore(%arg15 : memref<!tpu.dma_semaphore, #tpu.memory_space<semaphore_mem>>)
    %dma_start3A_12 = tpu.memref_slice %arg4[%mul3A_2] : memref<1024xi32, #tpu.memory_space<hbm>> -> memref<32xi32, #tpu.memory_space<hbm>>
    %dma_start3A_13 = tpu.memref_slice %arg4[%mul3A_2] : memref<1024xi32, #tpu.memory_space<hbm>> -> memref<32xi32, #tpu.memory_space<hbm>>
    tpu.enqueue_dma source(%dma_start3A_13 : memref<32xi32, #tpu.memory_space<hbm>>) target(%arg9 : memref<32xi32, #tpu.memory_space<vmem>>) target_semaphore(%arg16 : memref<!tpu.dma_semaphore, #tpu.memory_space<semaphore_mem>>)
    %dma_wait3A = tpu.memref_slice %arg3[%mul3A_2] : memref<1024xi32, #tpu.memory_space<hbm>> -> memref<32xi32, #tpu.memory_space<hbm>>
    %dma_wait3A_14 = tpu.memref_slice %arg3[%mul3A_2] : memref<1024xi32, #tpu.memory_space<hbm>> -> memref<32xi32, #tpu.memory_space<hbm>>
    tpu.wait_dma2 semaphore(%arg14 : memref<!tpu.dma_semaphore, #tpu.memory_space<semaphore_mem>>) src(%dma_wait3A_14 : memref<32xi32, #tpu.memory_space<hbm>>) dst(%arg8 : memref<32xi32, #tpu.memory_space<vmem>>)
    %dma_start3A_15 = arith.constant 0 : i32
    %dma_start3A_16 = arith.constant 0 : i32
    %dma_start3A_17 = tpu.memref_slice %arg2[%dma_start3A_15, %dma_start3A_16] : memref<1000x1024xf32, #tpu.memory_space<hbm>> -> memref<1000x1024xf32, #tpu.memory_space<hbm>>
    tpu.enqueue_indirect_dma source(%dma_start3A_17 : memref<1000x1024xf32, #tpu.memory_space<hbm>>) target(%arg11 : memref<32x1024xf32, #tpu.memory_space<vmem>>) offsets(%arg8 : memref<32xi32, #tpu.memory_space<vmem>>) semaphore(%arg17 : memref<!tpu.dma_semaphore, #tpu.memory_space<semaphore_mem>>)
    %dma_wait3A_18 = arith.constant 0 : i32
    %dma_wait3A_19 = tpu.memref_slice %arg10[%dma_wait3A_18] : memref<32016xi32, #tpu.memory_space<vmem>> -> memref<32000xi32, #tpu.memory_space<vmem>>
    %dma_wait3A_20 = tpu.memref_slice %arg5[%mul3A_5] : memref<1024000xi32, #tpu.memory_space<hbm>> -> memref<32000xi32, #tpu.memory_space<hbm>>
    %dma_wait3A_21 = arith.constant 0 : i32
    %dma_wait3A_22 = tpu.memref_slice %arg10[%dma_wait3A_21] : memref<32016xi32, #tpu.memory_space<vmem>> -> memref<32000xi32, #tpu.memory_space<vmem>>
    %dma_wait3A_23 = tpu.memref_slice %arg5[%mul3A_5] : memref<1024000xi32, #tpu.memory_space<hbm>> -> memref<32000xi32, #tpu.memory_space<hbm>>
    tpu.wait_dma2 semaphore(%arg15 : memref<!tpu.dma_semaphore, #tpu.memory_space<semaphore_mem>>) src(%dma_wait3A_23 : memref<32000xi32, #tpu.memory_space<hbm>>) dst(%dma_wait3A_22 : memref<32000xi32, #tpu.memory_space<vmem>>)
    %dma_wait3A_24 = arith.constant 0 : i32
    %dma_wait3A_25 = arith.constant 0 : i32
    %dma_wait3A_26 = tpu.memref_slice %arg2[%dma_wait3A_24, %dma_wait3A_25] : memref<1000x1024xf32, #tpu.memory_space<hbm>> -> memref<1000x1024xf32, #tpu.memory_space<hbm>>
    tpu.wait_indirect_dma semaphore(%arg17 : memref<!tpu.dma_semaphore, #tpu.memory_space<semaphore_mem>>) src(%dma_wait3A_26 : memref<1000x1024xf32, #tpu.memory_space<hbm>>) dst(%arg11 : memref<32x1024xf32, #tpu.memory_space<vmem>>)
    %iota3A = tpu.iota {dimensions = array<i32: 0>} : vector<16xi32>
    %lt3A = arith.constant 8 : i32
    %lt3A_27 = vector.broadcast %lt3A : i32 to vector<16xi32>
    %lt3A_28 = arith.cmpi slt, %iota3A, %lt3A_27 : vector<16xi32>
    %scan3A = arith.constant 0 : i32
    %scan3A_29 = arith.constant 0 : i32
    %scan3A_30 = arith.constant 32 : i32
    %scan3A_31 = arith.addi %scan3A_29, %scan3A_30 : i32
    %scan3A_32 = arith.constant 1 : i32
    scf.for %scan3A_53 = %scan3A_29 to %scan3A_31 step %scan3A_32  : i32 {
      %broadcast_in_dim3A = vector.broadcast %scan3A_53 : i32 to vector<16xi32>
      %broadcast_in_dim3A_54 = arith.constant 0.000000e+00 : f32
      %broadcast_in_dim3A_55 = vector.broadcast %broadcast_in_dim3A_54 : f32 to vector<16xf32>
      %broadcast_in_dim3A_56 = arith.constant 0.000000e+00 : f32
      %broadcast_in_dim3A_57 = vector.broadcast %broadcast_in_dim3A_56 : f32 to vector<16xf32>
      %broadcast_in_dim3A_58 = arith.constant 0.000000e+00 : f32
      %broadcast_in_dim3A_59 = vector.broadcast %broadcast_in_dim3A_58 : f32 to vector<16xf32>
      %broadcast_in_dim3A_60 = arith.constant 0.000000e+00 : f32
      %broadcast_in_dim3A_61 = vector.broadcast %broadcast_in_dim3A_60 : f32 to vector<16xf32>
      %mul3A_62 = arith.constant 1000 : i32
      %mul3A_63 = arith.muli %scan3A_53, %mul3A_62 : i32
      %add3A_64 = arith.constant 0 : i32
      %add3A_65 = arith.addi %mul3A_63, %add3A_64 : i32
      %get3A_66 = arith.index_cast %add3A_65 : i32 to index
      %get3A_67 = tpu.vector_load %arg10[%get3A_66] {strides = array<i32>} : memref<32016xi32, #tpu.memory_space<vmem>>, vector<16xi32>,
      %gather3A_68 = tpu.vector_load_idx %arg11[%broadcast_in_dim3A, %get3A_67] : memref<32x1024xf32, #tpu.memory_space<vmem>>[vector<16xi32>, vector<16xi32>], vector<16xf32>,
      %add3A_69 = arith.addf %broadcast_in_dim3A_55, %gather3A_68 : vector<16xf32>
      %mul3A_70 = arith.constant 1000 : i32
      %mul3A_71 = arith.muli %scan3A_53, %mul3A_70 : i32
      %add3A_72 = arith.constant 16 : i32
      %add3A_73 = arith.addi %mul3A_71, %add3A_72 : i32
      %get3A_74 = arith.index_cast %add3A_73 : i32 to index
      %get3A_75 = tpu.vector_load %arg10[%get3A_74] {strides = array<i32>} : memref<32016xi32, #tpu.memory_space<vmem>>, vector<16xi32>,
      %gather3A_76 = tpu.vector_load_idx %arg11[%broadcast_in_dim3A, %get3A_75] : memref<32x1024xf32, #tpu.memory_space<vmem>>[vector<16xi32>, vector<16xi32>], vector<16xf32>,
      %add3A_77 = arith.addf %broadcast_in_dim3A_57, %gather3A_76 : vector<16xf32>
      %mul3A_78 = arith.constant 1000 : i32
      %mul3A_79 = arith.muli %scan3A_53, %mul3A_78 : i32
      %add3A_80 = arith.constant 32 : i32
      %add3A_81 = arith.addi %mul3A_79, %add3A_80 : i32
      %get3A_82 = arith.index_cast %add3A_81 : i32 to index
      %get3A_83 = tpu.vector_load %arg10[%get3A_82] {strides = array<i32>} : memref<32016xi32, #tpu.memory_space<vmem>>, vector<16xi32>,
      %gather3A_84 = tpu.vector_load_idx %arg11[%broadcast_in_dim3A, %get3A_83] : memref<32x1024xf32, #tpu.memory_space<vmem>>[vector<16xi32>, vector<16xi32>], vector<16xf32>,
      %add3A_85 = arith.addf %broadcast_in_dim3A_59, %gather3A_84 : vector<16xf32>
      %mul3A_86 = arith.constant 1000 : i32
      %mul3A_87 = arith.muli %scan3A_53, %mul3A_86 : i32
      %add3A_88 = arith.constant 48 : i32
      %add3A_89 = arith.addi %mul3A_87, %add3A_88 : i32
      %get3A_90 = arith.index_cast %add3A_89 : i32 to index
      %get3A_91 = tpu.vector_load %arg10[%get3A_90] {strides = array<i32>} : memref<32016xi32, #tpu.memory_space<vmem>>, vector<16xi32>,
      %gather3A_92 = tpu.vector_load_idx %arg11[%broadcast_in_dim3A, %get3A_91] : memref<32x1024xf32, #tpu.memory_space<vmem>>[vector<16xi32>, vector<16xi32>], vector<16xf32>,
      %add3A_93 = arith.addf %broadcast_in_dim3A_61, %gather3A_92 : vector<16xf32>
      %mul3A_94 = arith.constant 1000 : i32
      %mul3A_95 = arith.muli %scan3A_53, %mul3A_94 : i32
      %add3A_96 = arith.constant 64 : i32
      %add3A_97 = arith.addi %mul3A_95, %add3A_96 : i32
      %get3A_98 = arith.index_cast %add3A_97 : i32 to index
      %get3A_99 = tpu.vector_load %arg10[%get3A_98] {strides = array<i32>} : memref<32016xi32, #tpu.memory_space<vmem>>, vector<16xi32>,
      %gather3A_100 = tpu.vector_load_idx %arg11[%broadcast_in_dim3A, %get3A_99] : memref<32x1024xf32, #tpu.memory_space<vmem>>[vector<16xi32>, vector<16xi32>], vector<16xf32>,
      %add3A_101 = arith.addf %add3A_69, %gather3A_100 : vector<16xf32>
      %mul3A_102 = arith.constant 1000 : i32
      %mul3A_103 = arith.muli %scan3A_53, %mul3A_102 : i32
      %add3A_104 = arith.constant 80 : i32
      %add3A_105 = arith.addi %mul3A_103, %add3A_104 : i32
      %get3A_106 = arith.index_cast %add3A_105 : i32 to index
      %get3A_107 = tpu.vector_load %arg10[%get3A_106] {strides = array<i32>} : memref<32016xi32, #tpu.memory_space<vmem>>, vector<16xi32>,
      %gather3A_108 = tpu.vector_load_idx %arg11[%broadcast_in_dim3A, %get3A_107] : memref<32x1024xf32, #tpu.memory_space<vmem>>[vector<16xi32>, vector<16xi32>], vector<16xf32>,
      %add3A_109 = arith.addf %add3A_77, %gather3A_108 : vector<16xf32>
      %mul3A_110 = arith.constant 1000 : i32
      %mul3A_111 = arith.muli %scan3A_53, %mul3A_110 : i32
      %add3A_112 = arith.constant 96 : i32
      %add3A_113 = arith.addi %mul3A_111, %add3A_112 : i32
      %get3A_114 = arith.index_cast %add3A_113 : i32 to index
      %get3A_115 = tpu.vector_load %arg10[%get3A_114] {strides = array<i32>} : memref<32016xi32, #tpu.memory_space<vmem>>, vector<16xi32>,
      %gather3A_116 = tpu.vector_load_idx %arg11[%broadcast_in_dim3A, %get3A_115] : memref<32x1024xf32, #tpu.memory_space<vmem>>[vector<16xi32>, vector<16xi32>], vector<16xf32>,
      %add3A_117 = arith.addf %add3A_85, %gather3A_116 : vector<16xf32>
      %mul3A_118 = arith.constant 1000 : i32
      %mul3A_119 = arith.muli %scan3A_53, %mul3A_118 : i32
      %add3A_120 = arith.constant 112 : i32
      %add3A_121 = arith.addi %mul3A_119, %add3A_120 : i32
      %get3A_122 = arith.index_cast %add3A_121 : i32 to index
      %get3A_123 = tpu.vector_load %arg10[%get3A_122] {strides = array<i32>} : memref<32016xi32, #tpu.memory_space<vmem>>, vector<16xi32>,
      %gather3A_124 = tpu.vector_load_idx %arg11[%broadcast_in_dim3A, %get3A_123] : memref<32x1024xf32, #tpu.memory_space<vmem>>[vector<16xi32>, vector<16xi32>], vector<16xf32>,
      %add3A_125 = arith.addf %add3A_93, %gather3A_124 : vector<16xf32>
      %mul3A_126 = arith.constant 1000 : i32
      %mul3A_127 = arith.muli %scan3A_53, %mul3A_126 : i32
      %add3A_128 = arith.constant 128 : i32
      %add3A_129 = arith.addi %mul3A_127, %add3A_128 : i32
      %get3A_130 = arith.index_cast %add3A_129 : i32 to index
      %get3A_131 = tpu.vector_load %arg10[%get3A_130] {strides = array<i32>} : memref<32016xi32, #tpu.memory_space<vmem>>, vector<16xi32>,
      %gather3A_132 = tpu.vector_load_idx %arg11[%broadcast_in_dim3A, %get3A_131] : memref<32x1024xf32, #tpu.memory_space<vmem>>[vector<16xi32>, vector<16xi32>], vector<16xf32>,
      %add3A_133 = arith.addf %add3A_101, %gather3A_132 : vector<16xf32>
      %mul3A_134 = arith.constant 1000 : i32
      %mul3A_135 = arith.muli %scan3A_53, %mul3A_134 : i32
      %add3A_136 = arith.constant 144 : i32
      %add3A_137 = arith.addi %mul3A_135, %add3A_136 : i32
      %get3A_138 = arith.index_cast %add3A_137 : i32 to index
      %get3A_139 = tpu.vector_load %arg10[%get3A_138] {strides = array<i32>} : memref<32016xi32, #tpu.memory_space<vmem>>, vector<16xi32>,
      %gather3A_140 = tpu.vector_load_idx %arg11[%broadcast_in_dim3A, %get3A_139] : memref<32x1024xf32, #tpu.memory_space<vmem>>[vector<16xi32>, vector<16xi32>], vector<16xf32>,
      %add3A_141 = arith.addf %add3A_109, %gather3A_140 : vector<16xf32>
      %mul3A_142 = arith.constant 1000 : i32
      %mul3A_143 = arith.muli %scan3A_53, %mul3A_142 : i32
      %add3A_144 = arith.constant 160 : i32
      %add3A_145 = arith.addi %mul3A_143, %add3A_144 : i32
      %get3A_146 = arith.index_cast %add3A_145 : i32 to index
      %get3A_147 = tpu.vector_load %arg10[%get3A_146] {strides = array<i32>} : memref<32016xi32, #tpu.memory_space<vmem>>, vector<16xi32>,
      %gather3A_148 = tpu.vector_load_idx %arg11[%broadcast_in_dim3A, %get3A_147] : memref<32x1024xf32, #tpu.memory_space<vmem>>[vector<16xi32>, vector<16xi32>], vector<16xf32>,
      %add3A_149 = arith.addf %add3A_117, %gather3A_148 : vector<16xf32>
      %mul3A_150 = arith.constant 1000 : i32
      %mul3A_151 = arith.muli %scan3A_53, %mul3A_150 : i32
      %add3A_152 = arith.constant 176 : i32
      %add3A_153 = arith.addi %mul3A_151, %add3A_152 : i32
      %get3A_154 = arith.index_cast %add3A_153 : i32 to index
      %get3A_155 = tpu.vector_load %arg10[%get3A_154] {strides = array<i32>} : memref<32016xi32, #tpu.memory_space<vmem>>, vector<16xi32>,
      %gather3A_156 = tpu.vector_load_idx %arg11[%broadcast_in_dim3A, %get3A_155] : memref<32x1024xf32, #tpu.memory_space<vmem>>[vector<16xi32>, vector<16xi32>], vector<16xf32>,
      %add3A_157 = arith.addf %add3A_125, %gather3A_156 : vector<16xf32>
      %mul3A_158 = arith.constant 1000 : i32
      %mul3A_159 = arith.muli %scan3A_53, %mul3A_158 : i32
      %add3A_160 = arith.constant 192 : i32
      %add3A_161 = arith.addi %mul3A_159, %add3A_160 : i32
      %get3A_162 = arith.index_cast %add3A_161 : i32 to index
      %get3A_163 = tpu.vector_load %arg10[%get3A_162] {strides = array<i32>} : memref<32016xi32, #tpu.memory_space<vmem>>, vector<16xi32>,
      %gather3A_164 = tpu.vector_load_idx %arg11[%broadcast_in_dim3A, %get3A_163] : memref<32x1024xf32, #tpu.memory_space<vmem>>[vector<16xi32>, vector<16xi32>], vector<16xf32>,
      %add3A_165 = arith.addf %add3A_133, %gather3A_164 : vector<16xf32>
      %mul3A_166 = arith.constant 1000 : i32
      %mul3A_167 = arith.muli %scan3A_53, %mul3A_166 : i32
      %add3A_168 = arith.constant 208 : i32
      %add3A_169 = arith.addi %mul3A_167, %add3A_168 : i32
      %get3A_170 = arith.index_cast %add3A_169 : i32 to index
      %get3A_171 = tpu.vector_load %arg10[%get3A_170] {strides = array<i32>} : memref<32016xi32, #tpu.memory_space<vmem>>, vector<16xi32>,
      %gather3A_172 = tpu.vector_load_idx %arg11[%broadcast_in_dim3A, %get3A_171] : memref<32x1024xf32, #tpu.memory_space<vmem>>[vector<16xi32>, vector<16xi32>], vector<16xf32>,
      %add3A_173 = arith.addf %add3A_141, %gather3A_172 : vector<16xf32>
      %mul3A_174 = arith.constant 1000 : i32
      %mul3A_175 = arith.muli %scan3A_53, %mul3A_174 : i32
      %add3A_176 = arith.constant 224 : i32
      %add3A_177 = arith.addi %mul3A_175, %add3A_176 : i32
      %get3A_178 = arith.index_cast %add3A_177 : i32 to index
      %get3A_179 = tpu.vector_load %arg10[%get3A_178] {strides = array<i32>} : memref<32016xi32, #tpu.memory_space<vmem>>, vector<16xi32>,
      %gather3A_180 = tpu.vector_load_idx %arg11[%broadcast_in_dim3A, %get3A_179] : memref<32x1024xf32, #tpu.memory_space<vmem>>[vector<16xi32>, vector<16xi32>], vector<16xf32>,
      %add3A_181 = arith.addf %add3A_149, %gather3A_180 : vector<16xf32>
      %mul3A_182 = arith.constant 1000 : i32
      %mul3A_183 = arith.muli %scan3A_53, %mul3A_182 : i32
      %add3A_184 = arith.constant 240 : i32
      %add3A_185 = arith.addi %mul3A_183, %add3A_184 : i32
      %get3A_186 = arith.index_cast %add3A_185 : i32 to index
      %get3A_187 = tpu.vector_load %arg10[%get3A_186] {strides = array<i32>} : memref<32016xi32, #tpu.memory_space<vmem>>, vector<16xi32>,
      %gather3A_188 = tpu.vector_load_idx %arg11[%broadcast_in_dim3A, %get3A_187] : memref<32x1024xf32, #tpu.memory_space<vmem>>[vector<16xi32>, vector<16xi32>], vector<16xf32>,
      %add3A_189 = arith.addf %add3A_157, %gather3A_188 : vector<16xf32>
      %mul3A_190 = arith.constant 1000 : i32
      %mul3A_191 = arith.muli %scan3A_53, %mul3A_190 : i32
      %add3A_192 = arith.constant 256 : i32
      %add3A_193 = arith.addi %mul3A_191, %add3A_192 : i32
      %get3A_194 = arith.index_cast %add3A_193 : i32 to index
      %get3A_195 = tpu.vector_load %arg10[%get3A_194] {strides = array<i32>} : memref<32016xi32, #tpu.memory_space<vmem>>, vector<16xi32>,
      %gather3A_196 = tpu.vector_load_idx %arg11[%broadcast_in_dim3A, %get3A_195] : memref<32x1024xf32, #tpu.memory_space<vmem>>[vector<16xi32>, vector<16xi32>], vector<16xf32>,
      %add3A_197 = arith.addf %add3A_165, %gather3A_196 : vector<16xf32>
      %mul3A_198 = arith.constant 1000 : i32
      %mul3A_199 = arith.muli %scan3A_53, %mul3A_198 : i32
      %add3A_200 = arith.constant 272 : i32
      %add3A_201 = arith.addi %mul3A_199, %add3A_200 : i32
      %get3A_202 = arith.index_cast %add3A_201 : i32 to index
      %get3A_203 = tpu.vector_load %arg10[%get3A_202] {strides = array<i32>} : memref<32016xi32, #tpu.memory_space<vmem>>, vector<16xi32>,
      %gather3A_204 = tpu.vector_load_idx %arg11[%broadcast_in_dim3A, %get3A_203] : memref<32x1024xf32, #tpu.memory_space<vmem>>[vector<16xi32>, vector<16xi32>], vector<16xf32>,
      %add3A_205 = arith.addf %add3A_173, %gather3A_204 : vector<16xf32>
      %mul3A_206 = arith.constant 1000 : i32
      %mul3A_207 = arith.muli %scan3A_53, %mul3A_206 : i32
      %add3A_208 = arith.constant 288 : i32
      %add3A_209 = arith.addi %mul3A_207, %add3A_208 : i32
      %get3A_210 = arith.index_cast %add3A_209 : i32 to index
      %get3A_211 = tpu.vector_load %arg10[%get3A_210] {strides = array<i32>} : memref<32016xi32, #tpu.memory_space<vmem>>, vector<16xi32>,
      %gather3A_212 = tpu.vector_load_idx %arg11[%broadcast_in_dim3A, %get3A_211] : memref<32x1024xf32, #tpu.memory_space<vmem>>[vector<16xi32>, vector<16xi32>], vector<16xf32>,
      %add3A_213 = arith.addf %add3A_181, %gather3A_212 : vector<16xf32>
      %mul3A_214 = arith.constant 1000 : i32
      %mul3A_215 = arith.muli %scan3A_53, %mul3A_214 : i32
      %add3A_216 = arith.constant 304 : i32
      %add3A_217 = arith.addi %mul3A_215, %add3A_216 : i32
      %get3A_218 = arith.index_cast %add3A_217 : i32 to index
      %get3A_219 = tpu.vector_load %arg10[%get3A_218] {strides = array<i32>} : memref<32016xi32, #tpu.memory_space<vmem>>, vector<16xi32>,
      %gather3A_220 = tpu.vector_load_idx %arg11[%broadcast_in_dim3A, %get3A_219] : memref<32x1024xf32, #tpu.memory_space<vmem>>[vector<16xi32>, vector<16xi32>], vector<16xf32>,
      %add3A_221 = arith.addf %add3A_189, %gather3A_220 : vector<16xf32>
      %mul3A_222 = arith.constant 1000 : i32
      %mul3A_223 = arith.muli %scan3A_53, %mul3A_222 : i32
      %add3A_224 = arith.constant 320 : i32
      %add3A_225 = arith.addi %mul3A_223, %add3A_224 : i32
      %get3A_226 = arith.index_cast %add3A_225 : i32 to index
      %get3A_227 = tpu.vector_load %arg10[%get3A_226] {strides = array<i32>} : memref<32016xi32, #tpu.memory_space<vmem>>, vector<16xi32>,
      %gather3A_228 = tpu.vector_load_idx %arg11[%broadcast_in_dim3A, %get3A_227] : memref<32x1024xf32, #tpu.memory_space<vmem>>[vector<16xi32>, vector<16xi32>], vector<16xf32>,
      %add3A_229 = arith.addf %add3A_197, %gather3A_228 : vector<16xf32>
      %mul3A_230 = arith.constant 1000 : i32
      %mul3A_231 = arith.muli %scan3A_53, %mul3A_230 : i32
      %add3A_232 = arith.constant 336 : i32
      %add3A_233 = arith.addi %mul3A_231, %add3A_232 : i32
      %get3A_234 = arith.index_cast %add3A_233 : i32 to index
      %get3A_235 = tpu.vector_load %arg10[%get3A_234] {strides = array<i32>} : memref<32016xi32, #tpu.memory_space<vmem>>, vector<16xi32>,
      %gather3A_236 = tpu.vector_load_idx %arg11[%broadcast_in_dim3A, %get3A_235] : memref<32x1024xf32, #tpu.memory_space<vmem>>[vector<16xi32>, vector<16xi32>], vector<16xf32>,
      %add3A_237 = arith.addf %add3A_205, %gather3A_236 : vector<16xf32>
      %mul3A_238 = arith.constant 1000 : i32
      %mul3A_239 = arith.muli %scan3A_53, %mul3A_238 : i32
      %add3A_240 = arith.constant 352 : i32
      %add3A_241 = arith.addi %mul3A_239, %add3A_240 : i32
      %get3A_242 = arith.index_cast %add3A_241 : i32 to index
      %get3A_243 = tpu.vector_load %arg10[%get3A_242] {strides = array<i32>} : memref<32016xi32, #tpu.memory_space<vmem>>, vector<16xi32>,
      %gather3A_244 = tpu.vector_load_idx %arg11[%broadcast_in_dim3A, %get3A_243] : memref<32x1024xf32, #tpu.memory_space<vmem>>[vector<16xi32>, vector<16xi32>], vector<16xf32>,
      %add3A_245 = arith.addf %add3A_213, %gather3A_244 : vector<16xf32>
      %mul3A_246 = arith.constant 1000 : i32
      %mul3A_247 = arith.muli %scan3A_53, %mul3A_246 : i32
      %add3A_248 = arith.constant 368 : i32
      %add3A_249 = arith.addi %mul3A_247, %add3A_248 : i32
      %get3A_250 = arith.index_cast %add3A_249 : i32 to index
      %get3A_251 = tpu.vector_load %arg10[%get3A_250] {strides = array<i32>} : memref<32016xi32, #tpu.memory_space<vmem>>, vector<16xi32>,
      %gather3A_252 = tpu.vector_load_idx %arg11[%broadcast_in_dim3A, %get3A_251] : memref<32x1024xf32, #tpu.memory_space<vmem>>[vector<16xi32>, vector<16xi32>], vector<16xf32>,
      %add3A_253 = arith.addf %add3A_221, %gather3A_252 : vector<16xf32>
      %mul3A_254 = arith.constant 1000 : i32
      %mul3A_255 = arith.muli %scan3A_53, %mul3A_254 : i32
      %add3A_256 = arith.constant 384 : i32
      %add3A_257 = arith.addi %mul3A_255, %add3A_256 : i32
      %get3A_258 = arith.index_cast %add3A_257 : i32 to index
      %get3A_259 = tpu.vector_load %arg10[%get3A_258] {strides = array<i32>} : memref<32016xi32, #tpu.memory_space<vmem>>, vector<16xi32>,
      %gather3A_260 = tpu.vector_load_idx %arg11[%broadcast_in_dim3A, %get3A_259] : memref<32x1024xf32, #tpu.memory_space<vmem>>[vector<16xi32>, vector<16xi32>], vector<16xf32>,
      %add3A_261 = arith.addf %add3A_229, %gather3A_260 : vector<16xf32>
      %mul3A_262 = arith.constant 1000 : i32
      %mul3A_263 = arith.muli %scan3A_53, %mul3A_262 : i32
      %add3A_264 = arith.constant 400 : i32
      %add3A_265 = arith.addi %mul3A_263, %add3A_264 : i32
      %get3A_266 = arith.index_cast %add3A_265 : i32 to index
      %get3A_267 = tpu.vector_load %arg10[%get3A_266] {strides = array<i32>} : memref<32016xi32, #tpu.memory_space<vmem>>, vector<16xi32>,
      %gather3A_268 = tpu.vector_load_idx %arg11[%broadcast_in_dim3A, %get3A_267] : memref<32x1024xf32, #tpu.memory_space<vmem>>[vector<16xi32>, vector<16xi32>], vector<16xf32>,
      %add3A_269 = arith.addf %add3A_237, %gather3A_268 : vector<16xf32>
      %mul3A_270 = arith.constant 1000 : i32
      %mul3A_271 = arith.muli %scan3A_53, %mul3A_270 : i32
      %add3A_272 = arith.constant 416 : i32
      %add3A_273 = arith.addi %mul3A_271, %add3A_272 : i32
      %get3A_274 = arith.index_cast %add3A_273 : i32 to index
      %get3A_275 = tpu.vector_load %arg10[%get3A_274] {strides = array<i32>} : memref<32016xi32, #tpu.memory_space<vmem>>, vector<16xi32>,
      %gather3A_276 = tpu.vector_load_idx %arg11[%broadcast_in_dim3A, %get3A_275] : memref<32x1024xf32, #tpu.memory_space<vmem>>[vector<16xi32>, vector<16xi32>], vector<16xf32>,
      %add3A_277 = arith.addf %add3A_245, %gather3A_276 : vector<16xf32>
      %mul3A_278 = arith.constant 1000 : i32
      %mul3A_279 = arith.muli %scan3A_53, %mul3A_278 : i32
      %add3A_280 = arith.constant 432 : i32
      %add3A_281 = arith.addi %mul3A_279, %add3A_280 : i32
      %get3A_282 = arith.index_cast %add3A_281 : i32 to index
      %get3A_283 = tpu.vector_load %arg10[%get3A_282] {strides = array<i32>} : memref<32016xi32, #tpu.memory_space<vmem>>, vector<16xi32>,
      %gather3A_284 = tpu.vector_load_idx %arg11[%broadcast_in_dim3A, %get3A_283] : memref<32x1024xf32, #tpu.memory_space<vmem>>[vector<16xi32>, vector<16xi32>], vector<16xf32>,
      %add3A_285 = arith.addf %add3A_253, %gather3A_284 : vector<16xf32>
      %mul3A_286 = arith.constant 1000 : i32
      %mul3A_287 = arith.muli %scan3A_53, %mul3A_286 : i32
      %add3A_288 = arith.constant 448 : i32
      %add3A_289 = arith.addi %mul3A_287, %add3A_288 : i32
      %get3A_290 = arith.index_cast %add3A_289 : i32 to index
      %get3A_291 = tpu.vector_load %arg10[%get3A_290] {strides = array<i32>} : memref<32016xi32, #tpu.memory_space<vmem>>, vector<16xi32>,
      %gather3A_292 = tpu.vector_load_idx %arg11[%broadcast_in_dim3A, %get3A_291] : memref<32x1024xf32, #tpu.memory_space<vmem>>[vector<16xi32>, vector<16xi32>], vector<16xf32>,
      %add3A_293 = arith.addf %add3A_261, %gather3A_292 : vector<16xf32>
      %mul3A_294 = arith.constant 1000 : i32
      %mul3A_295 = arith.muli %scan3A_53, %mul3A_294 : i32
      %add3A_296 = arith.constant 464 : i32
      %add3A_297 = arith.addi %mul3A_295, %add3A_296 : i32
      %get3A_298 = arith.index_cast %add3A_297 : i32 to index
      %get3A_299 = tpu.vector_load %arg10[%get3A_298] {strides = array<i32>} : memref<32016xi32, #tpu.memory_space<vmem>>, vector<16xi32>,
      %gather3A_300 = tpu.vector_load_idx %arg11[%broadcast_in_dim3A, %get3A_299] : memref<32x1024xf32, #tpu.memory_space<vmem>>[vector<16xi32>, vector<16xi32>], vector<16xf32>,
      %add3A_301 = arith.addf %add3A_269, %gather3A_300 : vector<16xf32>
      %mul3A_302 = arith.constant 1000 : i32
      %mul3A_303 = arith.muli %scan3A_53, %mul3A_302 : i32
      %add3A_304 = arith.constant 480 : i32
      %add3A_305 = arith.addi %mul3A_303, %add3A_304 : i32
      %get3A_306 = arith.index_cast %add3A_305 : i32 to index
      %get3A_307 = tpu.vector_load %arg10[%get3A_306] {strides = array<i32>} : memref<32016xi32, #tpu.memory_space<vmem>>, vector<16xi32>,
      %gather3A_308 = tpu.vector_load_idx %arg11[%broadcast_in_dim3A, %get3A_307] : memref<32x1024xf32, #tpu.memory_space<vmem>>[vector<16xi32>, vector<16xi32>], vector<16xf32>,
      %add3A_309 = arith.addf %add3A_277, %gather3A_308 : vector<16xf32>
      %mul3A_310 = arith.constant 1000 : i32
      %mul3A_311 = arith.muli %scan3A_53, %mul3A_310 : i32
      %add3A_312 = arith.constant 496 : i32
      %add3A_313 = arith.addi %mul3A_311, %add3A_312 : i32
      %get3A_314 = arith.index_cast %add3A_313 : i32 to index
      %get3A_315 = tpu.vector_load %arg10[%get3A_314] {strides = array<i32>} : memref<32016xi32, #tpu.memory_space<vmem>>, vector<16xi32>,
      %gather3A_316 = tpu.vector_load_idx %arg11[%broadcast_in_dim3A, %get3A_315] : memref<32x1024xf32, #tpu.memory_space<vmem>>[vector<16xi32>, vector<16xi32>], vector<16xf32>,
      %add3A_317 = arith.addf %add3A_285, %gather3A_316 : vector<16xf32>
      %mul3A_318 = arith.constant 1000 : i32
      %mul3A_319 = arith.muli %scan3A_53, %mul3A_318 : i32
      %add3A_320 = arith.constant 512 : i32
      %add3A_321 = arith.addi %mul3A_319, %add3A_320 : i32
      %get3A_322 = arith.index_cast %add3A_321 : i32 to index
      %get3A_323 = tpu.vector_load %arg10[%get3A_322] {strides = array<i32>} : memref<32016xi32, #tpu.memory_space<vmem>>, vector<16xi32>,
      %gather3A_324 = tpu.vector_load_idx %arg11[%broadcast_in_dim3A, %get3A_323] : memref<32x1024xf32, #tpu.memory_space<vmem>>[vector<16xi32>, vector<16xi32>], vector<16xf32>,
      %add3A_325 = arith.addf %add3A_293, %gather3A_324 : vector<16xf32>
      %mul3A_326 = arith.constant 1000 : i32
      %mul3A_327 = arith.muli %scan3A_53, %mul3A_326 : i32
      %add3A_328 = arith.constant 528 : i32
      %add3A_329 = arith.addi %mul3A_327, %add3A_328 : i32
      %get3A_330 = arith.index_cast %add3A_329 : i32 to index
      %get3A_331 = tpu.vector_load %arg10[%get3A_330] {strides = array<i32>} : memref<32016xi32, #tpu.memory_space<vmem>>, vector<16xi32>,
      %gather3A_332 = tpu.vector_load_idx %arg11[%broadcast_in_dim3A, %get3A_331] : memref<32x1024xf32, #tpu.memory_space<vmem>>[vector<16xi32>, vector<16xi32>], vector<16xf32>,
      %add3A_333 = arith.addf %add3A_301, %gather3A_332 : vector<16xf32>
      %mul3A_334 = arith.constant 1000 : i32
      %mul3A_335 = arith.muli %scan3A_53, %mul3A_334 : i32
      %add3A_336 = arith.constant 544 : i32
      %add3A_337 = arith.addi %mul3A_335, %add3A_336 : i32
      %get3A_338 = arith.index_cast %add3A_337 : i32 to index
      %get3A_339 = tpu.vector_load %arg10[%get3A_338] {strides = array<i32>} : memref<32016xi32, #tpu.memory_space<vmem>>, vector<16xi32>,
      %gather3A_340 = tpu.vector_load_idx %arg11[%broadcast_in_dim3A, %get3A_339] : memref<32x1024xf32, #tpu.memory_space<vmem>>[vector<16xi32>, vector<16xi32>], vector<16xf32>,
      %add3A_341 = arith.addf %add3A_309, %gather3A_340 : vector<16xf32>
      %mul3A_342 = arith.constant 1000 : i32
      %mul3A_343 = arith.muli %scan3A_53, %mul3A_342 : i32
      %add3A_344 = arith.constant 560 : i32
      %add3A_345 = arith.addi %mul3A_343, %add3A_344 : i32
      %get3A_346 = arith.index_cast %add3A_345 : i32 to index
      %get3A_347 = tpu.vector_load %arg10[%get3A_346] {strides = array<i32>} : memref<32016xi32, #tpu.memory_space<vmem>>, vector<16xi32>,
      %gather3A_348 = tpu.vector_load_idx %arg11[%broadcast_in_dim3A, %get3A_347] : memref<32x1024xf32, #tpu.memory_space<vmem>>[vector<16xi32>, vector<16xi32>], vector<16xf32>,
      %add3A_349 = arith.addf %add3A_317, %gather3A_348 : vector<16xf32>
      %mul3A_350 = arith.constant 1000 : i32
      %mul3A_351 = arith.muli %scan3A_53, %mul3A_350 : i32
      %add3A_352 = arith.constant 576 : i32
      %add3A_353 = arith.addi %mul3A_351, %add3A_352 : i32
      %get3A_354 = arith.index_cast %add3A_353 : i32 to index
      %get3A_355 = tpu.vector_load %arg10[%get3A_354] {strides = array<i32>} : memref<32016xi32, #tpu.memory_space<vmem>>, vector<16xi32>,
      %gather3A_356 = tpu.vector_load_idx %arg11[%broadcast_in_dim3A, %get3A_355] : memref<32x1024xf32, #tpu.memory_space<vmem>>[vector<16xi32>, vector<16xi32>], vector<16xf32>,
      %add3A_357 = arith.addf %add3A_325, %gather3A_356 : vector<16xf32>
      %mul3A_358 = arith.constant 1000 : i32
      %mul3A_359 = arith.muli %scan3A_53, %mul3A_358 : i32
      %add3A_360 = arith.constant 592 : i32
      %add3A_361 = arith.addi %mul3A_359, %add3A_360 : i32
      %get3A_362 = arith.index_cast %add3A_361 : i32 to index
      %get3A_363 = tpu.vector_load %arg10[%get3A_362] {strides = array<i32>} : memref<32016xi32, #tpu.memory_space<vmem>>, vector<16xi32>,
      %gather3A_364 = tpu.vector_load_idx %arg11[%broadcast_in_dim3A, %get3A_363] : memref<32x1024xf32, #tpu.memory_space<vmem>>[vector<16xi32>, vector<16xi32>], vector<16xf32>,
      %add3A_365 = arith.addf %add3A_333, %gather3A_364 : vector<16xf32>
      %mul3A_366 = arith.constant 1000 : i32
      %mul3A_367 = arith.muli %scan3A_53, %mul3A_366 : i32
      %add3A_368 = arith.constant 608 : i32
      %add3A_369 = arith.addi %mul3A_367, %add3A_368 : i32
      %get3A_370 = arith.index_cast %add3A_369 : i32 to index
      %get3A_371 = tpu.vector_load %arg10[%get3A_370] {strides = array<i32>} : memref<32016xi32, #tpu.memory_space<vmem>>, vector<16xi32>,
      %gather3A_372 = tpu.vector_load_idx %arg11[%broadcast_in_dim3A, %get3A_371] : memref<32x1024xf32, #tpu.memory_space<vmem>>[vector<16xi32>, vector<16xi32>], vector<16xf32>,
      %add3A_373 = arith.addf %add3A_341, %gather3A_372 : vector<16xf32>
      %mul3A_374 = arith.constant 1000 : i32
      %mul3A_375 = arith.muli %scan3A_53, %mul3A_374 : i32
      %add3A_376 = arith.constant 624 : i32
      %add3A_377 = arith.addi %mul3A_375, %add3A_376 : i32
      %get3A_378 = arith.index_cast %add3A_377 : i32 to index
      %get3A_379 = tpu.vector_load %arg10[%get3A_378] {strides = array<i32>} : memref<32016xi32, #tpu.memory_space<vmem>>, vector<16xi32>,
      %gather3A_380 = tpu.vector_load_idx %arg11[%broadcast_in_dim3A, %get3A_379] : memref<32x1024xf32, #tpu.memory_space<vmem>>[vector<16xi32>, vector<16xi32>], vector<16xf32>,
      %add3A_381 = arith.addf %add3A_349, %gather3A_380 : vector<16xf32>
      %mul3A_382 = arith.constant 1000 : i32
      %mul3A_383 = arith.muli %scan3A_53, %mul3A_382 : i32
      %add3A_384 = arith.constant 640 : i32
      %add3A_385 = arith.addi %mul3A_383, %add3A_384 : i32
      %get3A_386 = arith.index_cast %add3A_385 : i32 to index
      %get3A_387 = tpu.vector_load %arg10[%get3A_386] {strides = array<i32>} : memref<32016xi32, #tpu.memory_space<vmem>>, vector<16xi32>,
      %gather3A_388 = tpu.vector_load_idx %arg11[%broadcast_in_dim3A, %get3A_387] : memref<32x1024xf32, #tpu.memory_space<vmem>>[vector<16xi32>, vector<16xi32>], vector<16xf32>,
      %add3A_389 = arith.addf %add3A_357, %gather3A_388 : vector<16xf32>
      %mul3A_390 = arith.constant 1000 : i32
      %mul3A_391 = arith.muli %scan3A_53, %mul3A_390 : i32
      %add3A_392 = arith.constant 656 : i32
      %add3A_393 = arith.addi %mul3A_391, %add3A_392 : i32
      %get3A_394 = arith.index_cast %add3A_393 : i32 to index
      %get3A_395 = tpu.vector_load %arg10[%get3A_394] {strides = array<i32>} : memref<32016xi32, #tpu.memory_space<vmem>>, vector<16xi32>,
      %gather3A_396 = tpu.vector_load_idx %arg11[%broadcast_in_dim3A, %get3A_395] : memref<32x1024xf32, #tpu.memory_space<vmem>>[vector<16xi32>, vector<16xi32>], vector<16xf32>,
      %add3A_397 = arith.addf %add3A_365, %gather3A_396 : vector<16xf32>
      %mul3A_398 = arith.constant 1000 : i32
      %mul3A_399 = arith.muli %scan3A_53, %mul3A_398 : i32
      %add3A_400 = arith.constant 672 : i32
      %add3A_401 = arith.addi %mul3A_399, %add3A_400 : i32
      %get3A_402 = arith.index_cast %add3A_401 : i32 to index
      %get3A_403 = tpu.vector_load %arg10[%get3A_402] {strides = array<i32>} : memref<32016xi32, #tpu.memory_space<vmem>>, vector<16xi32>,
      %gather3A_404 = tpu.vector_load_idx %arg11[%broadcast_in_dim3A, %get3A_403] : memref<32x1024xf32, #tpu.memory_space<vmem>>[vector<16xi32>, vector<16xi32>], vector<16xf32>,
      %add3A_405 = arith.addf %add3A_373, %gather3A_404 : vector<16xf32>
      %mul3A_406 = arith.constant 1000 : i32
      %mul3A_407 = arith.muli %scan3A_53, %mul3A_406 : i32
      %add3A_408 = arith.constant 688 : i32
      %add3A_409 = arith.addi %mul3A_407, %add3A_408 : i32
      %get3A_410 = arith.index_cast %add3A_409 : i32 to index
      %get3A_411 = tpu.vector_load %arg10[%get3A_410] {strides = array<i32>} : memref<32016xi32, #tpu.memory_space<vmem>>, vector<16xi32>,
      %gather3A_412 = tpu.vector_load_idx %arg11[%broadcast_in_dim3A, %get3A_411] : memref<32x1024xf32, #tpu.memory_space<vmem>>[vector<16xi32>, vector<16xi32>], vector<16xf32>,
      %add3A_413 = arith.addf %add3A_381, %gather3A_412 : vector<16xf32>
      %mul3A_414 = arith.constant 1000 : i32
      %mul3A_415 = arith.muli %scan3A_53, %mul3A_414 : i32
      %add3A_416 = arith.constant 704 : i32
      %add3A_417 = arith.addi %mul3A_415, %add3A_416 : i32
      %get3A_418 = arith.index_cast %add3A_417 : i32 to index
      %get3A_419 = tpu.vector_load %arg10[%get3A_418] {strides = array<i32>} : memref<32016xi32, #tpu.memory_space<vmem>>, vector<16xi32>,
      %gather3A_420 = tpu.vector_load_idx %arg11[%broadcast_in_dim3A, %get3A_419] : memref<32x1024xf32, #tpu.memory_space<vmem>>[vector<16xi32>, vector<16xi32>], vector<16xf32>,
      %add3A_421 = arith.addf %add3A_389, %gather3A_420 : vector<16xf32>
      %mul3A_422 = arith.constant 1000 : i32
      %mul3A_423 = arith.muli %scan3A_53, %mul3A_422 : i32
      %add3A_424 = arith.constant 720 : i32
      %add3A_425 = arith.addi %mul3A_423, %add3A_424 : i32
      %get3A_426 = arith.index_cast %add3A_425 : i32 to index
      %get3A_427 = tpu.vector_load %arg10[%get3A_426] {strides = array<i32>} : memref<32016xi32, #tpu.memory_space<vmem>>, vector<16xi32>,
      %gather3A_428 = tpu.vector_load_idx %arg11[%broadcast_in_dim3A, %get3A_427] : memref<32x1024xf32, #tpu.memory_space<vmem>>[vector<16xi32>, vector<16xi32>], vector<16xf32>,
      %add3A_429 = arith.addf %add3A_397, %gather3A_428 : vector<16xf32>
      %mul3A_430 = arith.constant 1000 : i32
      %mul3A_431 = arith.muli %scan3A_53, %mul3A_430 : i32
      %add3A_432 = arith.constant 736 : i32
      %add3A_433 = arith.addi %mul3A_431, %add3A_432 : i32
      %get3A_434 = arith.index_cast %add3A_433 : i32 to index
      %get3A_435 = tpu.vector_load %arg10[%get3A_434] {strides = array<i32>} : memref<32016xi32, #tpu.memory_space<vmem>>, vector<16xi32>,
      %gather3A_436 = tpu.vector_load_idx %arg11[%broadcast_in_dim3A, %get3A_435] : memref<32x1024xf32, #tpu.memory_space<vmem>>[vector<16xi32>, vector<16xi32>], vector<16xf32>,
      %add3A_437 = arith.addf %add3A_405, %gather3A_436 : vector<16xf32>
      %mul3A_438 = arith.constant 1000 : i32
      %mul3A_439 = arith.muli %scan3A_53, %mul3A_438 : i32
      %add3A_440 = arith.constant 752 : i32
      %add3A_441 = arith.addi %mul3A_439, %add3A_440 : i32
      %get3A_442 = arith.index_cast %add3A_441 : i32 to index
      %get3A_443 = tpu.vector_load %arg10[%get3A_442] {strides = array<i32>} : memref<32016xi32, #tpu.memory_space<vmem>>, vector<16xi32>,
      %gather3A_444 = tpu.vector_load_idx %arg11[%broadcast_in_dim3A, %get3A_443] : memref<32x1024xf32, #tpu.memory_space<vmem>>[vector<16xi32>, vector<16xi32>], vector<16xf32>,
      %add3A_445 = arith.addf %add3A_413, %gather3A_444 : vector<16xf32>
      %mul3A_446 = arith.constant 1000 : i32
      %mul3A_447 = arith.muli %scan3A_53, %mul3A_446 : i32
      %add3A_448 = arith.constant 768 : i32
      %add3A_449 = arith.addi %mul3A_447, %add3A_448 : i32
      %get3A_450 = arith.index_cast %add3A_449 : i32 to index
      %get3A_451 = tpu.vector_load %arg10[%get3A_450] {strides = array<i32>} : memref<32016xi32, #tpu.memory_space<vmem>>, vector<16xi32>,
      %gather3A_452 = tpu.vector_load_idx %arg11[%broadcast_in_dim3A, %get3A_451] : memref<32x1024xf32, #tpu.memory_space<vmem>>[vector<16xi32>, vector<16xi32>], vector<16xf32>,
      %add3A_453 = arith.addf %add3A_421, %gather3A_452 : vector<16xf32>
      %mul3A_454 = arith.constant 1000 : i32
      %mul3A_455 = arith.muli %scan3A_53, %mul3A_454 : i32
      %add3A_456 = arith.constant 784 : i32
      %add3A_457 = arith.addi %mul3A_455, %add3A_456 : i32
      %get3A_458 = arith.index_cast %add3A_457 : i32 to index
      %get3A_459 = tpu.vector_load %arg10[%get3A_458] {strides = array<i32>} : memref<32016xi32, #tpu.memory_space<vmem>>, vector<16xi32>,
      %gather3A_460 = tpu.vector_load_idx %arg11[%broadcast_in_dim3A, %get3A_459] : memref<32x1024xf32, #tpu.memory_space<vmem>>[vector<16xi32>, vector<16xi32>], vector<16xf32>,
      %add3A_461 = arith.addf %add3A_429, %gather3A_460 : vector<16xf32>
      %mul3A_462 = arith.constant 1000 : i32
      %mul3A_463 = arith.muli %scan3A_53, %mul3A_462 : i32
      %add3A_464 = arith.constant 800 : i32
      %add3A_465 = arith.addi %mul3A_463, %add3A_464 : i32
      %get3A_466 = arith.index_cast %add3A_465 : i32 to index
      %get3A_467 = tpu.vector_load %arg10[%get3A_466] {strides = array<i32>} : memref<32016xi32, #tpu.memory_space<vmem>>, vector<16xi32>,
      %gather3A_468 = tpu.vector_load_idx %arg11[%broadcast_in_dim3A, %get3A_467] : memref<32x1024xf32, #tpu.memory_space<vmem>>[vector<16xi32>, vector<16xi32>], vector<16xf32>,
      %add3A_469 = arith.addf %add3A_437, %gather3A_468 : vector<16xf32>
      %mul3A_470 = arith.constant 1000 : i32
      %mul3A_471 = arith.muli %scan3A_53, %mul3A_470 : i32
      %add3A_472 = arith.constant 816 : i32
      %add3A_473 = arith.addi %mul3A_471, %add3A_472 : i32
      %get3A_474 = arith.index_cast %add3A_473 : i32 to index
      %get3A_475 = tpu.vector_load %arg10[%get3A_474] {strides = array<i32>} : memref<32016xi32, #tpu.memory_space<vmem>>, vector<16xi32>,
      %gather3A_476 = tpu.vector_load_idx %arg11[%broadcast_in_dim3A, %get3A_475] : memref<32x1024xf32, #tpu.memory_space<vmem>>[vector<16xi32>, vector<16xi32>], vector<16xf32>,
      %add3A_477 = arith.addf %add3A_445, %gather3A_476 : vector<16xf32>
      %mul3A_478 = arith.constant 1000 : i32
      %mul3A_479 = arith.muli %scan3A_53, %mul3A_478 : i32
      %add3A_480 = arith.constant 832 : i32
      %add3A_481 = arith.addi %mul3A_479, %add3A_480 : i32
      %get3A_482 = arith.index_cast %add3A_481 : i32 to index
      %get3A_483 = tpu.vector_load %arg10[%get3A_482] {strides = array<i32>} : memref<32016xi32, #tpu.memory_space<vmem>>, vector<16xi32>,
      %gather3A_484 = tpu.vector_load_idx %arg11[%broadcast_in_dim3A, %get3A_483] : memref<32x1024xf32, #tpu.memory_space<vmem>>[vector<16xi32>, vector<16xi32>], vector<16xf32>,
      %add3A_485 = arith.addf %add3A_453, %gather3A_484 : vector<16xf32>
      %mul3A_486 = arith.constant 1000 : i32
      %mul3A_487 = arith.muli %scan3A_53, %mul3A_486 : i32
      %add3A_488 = arith.constant 848 : i32
      %add3A_489 = arith.addi %mul3A_487, %add3A_488 : i32
      %get3A_490 = arith.index_cast %add3A_489 : i32 to index
      %get3A_491 = tpu.vector_load %arg10[%get3A_490] {strides = array<i32>} : memref<32016xi32, #tpu.memory_space<vmem>>, vector<16xi32>,
      %gather3A_492 = tpu.vector_load_idx %arg11[%broadcast_in_dim3A, %get3A_491] : memref<32x1024xf32, #tpu.memory_space<vmem>>[vector<16xi32>, vector<16xi32>], vector<16xf32>,
      %add3A_493 = arith.addf %add3A_461, %gather3A_492 : vector<16xf32>
      %mul3A_494 = arith.constant 1000 : i32
      %mul3A_495 = arith.muli %scan3A_53, %mul3A_494 : i32
      %add3A_496 = arith.constant 864 : i32
      %add3A_497 = arith.addi %mul3A_495, %add3A_496 : i32
      %get3A_498 = arith.index_cast %add3A_497 : i32 to index
      %get3A_499 = tpu.vector_load %arg10[%get3A_498] {strides = array<i32>} : memref<32016xi32, #tpu.memory_space<vmem>>, vector<16xi32>,
      %gather3A_500 = tpu.vector_load_idx %arg11[%broadcast_in_dim3A, %get3A_499] : memref<32x1024xf32, #tpu.memory_space<vmem>>[vector<16xi32>, vector<16xi32>], vector<16xf32>,
      %add3A_501 = arith.addf %add3A_469, %gather3A_500 : vector<16xf32>
      %mul3A_502 = arith.constant 1000 : i32
      %mul3A_503 = arith.muli %scan3A_53, %mul3A_502 : i32
      %add3A_504 = arith.constant 880 : i32
      %add3A_505 = arith.addi %mul3A_503, %add3A_504 : i32
      %get3A_506 = arith.index_cast %add3A_505 : i32 to index
      %get3A_507 = tpu.vector_load %arg10[%get3A_506] {strides = array<i32>} : memref<32016xi32, #tpu.memory_space<vmem>>, vector<16xi32>,
      %gather3A_508 = tpu.vector_load_idx %arg11[%broadcast_in_dim3A, %get3A_507] : memref<32x1024xf32, #tpu.memory_space<vmem>>[vector<16xi32>, vector<16xi32>], vector<16xf32>,
      %add3A_509 = arith.addf %add3A_477, %gather3A_508 : vector<16xf32>
      %mul3A_510 = arith.constant 1000 : i32
      %mul3A_511 = arith.muli %scan3A_53, %mul3A_510 : i32
      %add3A_512 = arith.constant 896 : i32
      %add3A_513 = arith.addi %mul3A_511, %add3A_512 : i32
      %get3A_514 = arith.index_cast %add3A_513 : i32 to index
      %get3A_515 = tpu.vector_load %arg10[%get3A_514] {strides = array<i32>} : memref<32016xi32, #tpu.memory_space<vmem>>, vector<16xi32>,
      %gather3A_516 = tpu.vector_load_idx %arg11[%broadcast_in_dim3A, %get3A_515] : memref<32x1024xf32, #tpu.memory_space<vmem>>[vector<16xi32>, vector<16xi32>], vector<16xf32>,
      %add3A_517 = arith.addf %add3A_485, %gather3A_516 : vector<16xf32>
      %mul3A_518 = arith.constant 1000 : i32
      %mul3A_519 = arith.muli %scan3A_53, %mul3A_518 : i32
      %add3A_520 = arith.constant 912 : i32
      %add3A_521 = arith.addi %mul3A_519, %add3A_520 : i32
      %get3A_522 = arith.index_cast %add3A_521 : i32 to index
      %get3A_523 = tpu.vector_load %arg10[%get3A_522] {strides = array<i32>} : memref<32016xi32, #tpu.memory_space<vmem>>, vector<16xi32>,
      %gather3A_524 = tpu.vector_load_idx %arg11[%broadcast_in_dim3A, %get3A_523] : memref<32x1024xf32, #tpu.memory_space<vmem>>[vector<16xi32>, vector<16xi32>], vector<16xf32>,
      %add3A_525 = arith.addf %add3A_493, %gather3A_524 : vector<16xf32>
      %mul3A_526 = arith.constant 1000 : i32
      %mul3A_527 = arith.muli %scan3A_53, %mul3A_526 : i32
      %add3A_528 = arith.constant 928 : i32
      %add3A_529 = arith.addi %mul3A_527, %add3A_528 : i32
      %get3A_530 = arith.index_cast %add3A_529 : i32 to index
      %get3A_531 = tpu.vector_load %arg10[%get3A_530] {strides = array<i32>} : memref<32016xi32, #tpu.memory_space<vmem>>, vector<16xi32>,
      %gather3A_532 = tpu.vector_load_idx %arg11[%broadcast_in_dim3A, %get3A_531] : memref<32x1024xf32, #tpu.memory_space<vmem>>[vector<16xi32>, vector<16xi32>], vector<16xf32>,
      %add3A_533 = arith.addf %add3A_501, %gather3A_532 : vector<16xf32>
      %mul3A_534 = arith.constant 1000 : i32
      %mul3A_535 = arith.muli %scan3A_53, %mul3A_534 : i32
      %add3A_536 = arith.constant 944 : i32
      %add3A_537 = arith.addi %mul3A_535, %add3A_536 : i32
      %get3A_538 = arith.index_cast %add3A_537 : i32 to index
      %get3A_539 = tpu.vector_load %arg10[%get3A_538] {strides = array<i32>} : memref<32016xi32, #tpu.memory_space<vmem>>, vector<16xi32>,
      %gather3A_540 = tpu.vector_load_idx %arg11[%broadcast_in_dim3A, %get3A_539] : memref<32x1024xf32, #tpu.memory_space<vmem>>[vector<16xi32>, vector<16xi32>], vector<16xf32>,
      %add3A_541 = arith.addf %add3A_509, %gather3A_540 : vector<16xf32>
      %mul3A_542 = arith.constant 1000 : i32
      %mul3A_543 = arith.muli %scan3A_53, %mul3A_542 : i32
      %add3A_544 = arith.constant 960 : i32
      %add3A_545 = arith.addi %mul3A_543, %add3A_544 : i32
      %get3A_546 = arith.index_cast %add3A_545 : i32 to index
      %get3A_547 = tpu.vector_load %arg10[%get3A_546] {strides = array<i32>} : memref<32016xi32, #tpu.memory_space<vmem>>, vector<16xi32>,
      %gather3A_548 = tpu.vector_load_idx %arg11[%broadcast_in_dim3A, %get3A_547] : memref<32x1024xf32, #tpu.memory_space<vmem>>[vector<16xi32>, vector<16xi32>], vector<16xf32>,
      %add3A_549 = arith.addf %add3A_517, %gather3A_548 : vector<16xf32>
      %mul3A_550 = arith.constant 1000 : i32
      %mul3A_551 = arith.muli %scan3A_53, %mul3A_550 : i32
      %add3A_552 = arith.constant 976 : i32
      %add3A_553 = arith.addi %mul3A_551, %add3A_552 : i32
      %get3A_554 = arith.index_cast %add3A_553 : i32 to index
      %get3A_555 = tpu.vector_load %arg10[%get3A_554] {strides = array<i32>} : memref<32016xi32, #tpu.memory_space<vmem>>, vector<16xi32>,
      %gather3A_556 = tpu.vector_load_idx %arg11[%broadcast_in_dim3A, %get3A_555] : memref<32x1024xf32, #tpu.memory_space<vmem>>[vector<16xi32>, vector<16xi32>], vector<16xf32>,
      %add3A_557 = arith.addf %add3A_525, %gather3A_556 : vector<16xf32>
      %mul3A_558 = arith.constant 1000 : i32
      %mul3A_559 = arith.muli %scan3A_53, %mul3A_558 : i32
      %add3A_560 = arith.constant 992 : i32
      %add3A_561 = arith.addi %mul3A_559, %add3A_560 : i32
      %get3A_562 = arith.index_cast %add3A_561 : i32 to index
      %get3A_563 = tpu.vector_load %arg10[%get3A_562] {strides = array<i32>} : memref<32016xi32, #tpu.memory_space<vmem>>, vector<16xi32>,
      %and3A = arith.constant 1023 : i32
      %and3A_564 = vector.broadcast %and3A : i32 to vector<16xi32>
      %and3A_565 = arith.andi %get3A_563, %and3A_564 : vector<16xi32>
      %gather3A_566 = tpu.vector_load_idx %arg11[%broadcast_in_dim3A, %and3A_565] masked %lt3A_28 : memref<32x1024xf32, #tpu.memory_space<vmem>>[vector<16xi32>, vector<16xi32>], vector<16xf32>, vector<16xi1>
      %jit3A = arith.constant 0.000000e+00 : f32
      %broadcast_in_dim3A_567 = vector.broadcast %jit3A : f32 to vector<16xf32>
      %select_n3A = arith.select %lt3A_28, %gather3A_566, %broadcast_in_dim3A_567 : vector<16xi1>, vector<16xf32>
      %add3A_568 = arith.addf %add3A_549, %select_n3A : vector<16xf32>
      %add3A_569 = arith.addf %add3A_568, %add3A_557 : vector<16xf32>
      %add3A_570 = arith.addf %add3A_533, %add3A_541 : vector<16xf32>
      %add3A_571 = arith.addf %add3A_569, %add3A_570 : vector<16xf32>
      %mul3A_572 = arith.constant 16 : i32
      %mul3A_573 = arith.muli %scan3A_53, %mul3A_572 : i32
      %swap3A_574 = arith.index_cast %mul3A_573 : i32 to index
      %swap3A_575 = tpu.vector_load %arg12[%swap3A_574] {strides = array<i32>} : memref<512xf32, #tpu.memory_space<vmem>>, vector<16xf32>,
      tpu.vector_store %arg12[%swap3A_574], %add3A_571 {strides = array<i32>} : memref<512xf32, #tpu.memory_space<vmem>>, vector<16xf32>,
    }
    %scan3A_33 = arith.constant 32 : i32
    %dma_wait3A_34 = tpu.memref_slice %arg4[%mul3A_2] : memref<1024xi32, #tpu.memory_space<hbm>> -> memref<32xi32, #tpu.memory_space<hbm>>
    %dma_wait3A_35 = tpu.memref_slice %arg4[%mul3A_2] : memref<1024xi32, #tpu.memory_space<hbm>> -> memref<32xi32, #tpu.memory_space<hbm>>
    tpu.wait_dma2 semaphore(%arg16 : memref<!tpu.dma_semaphore, #tpu.memory_space<semaphore_mem>>) src(%dma_wait3A_35 : memref<32xi32, #tpu.memory_space<hbm>>) dst(%arg9 : memref<32xi32, #tpu.memory_space<vmem>>)
    %iota3A_36 = tpu.iota {dimensions = array<i32: 0>} : vector<16xi32>
    %add3A_37 = arith.constant 0 : i32
    %add3A_38 = vector.broadcast %add3A_37 : i32 to vector<16xi32>
    %add3A_39 = arith.addi %iota3A_36, %add3A_38 : vector<16xi32>
    %get3A = arith.constant 0 : index
    %get3A_40 = tpu.vector_load %arg9[%get3A] {strides = array<i32>} : memref<32xi32, #tpu.memory_space<vmem>>, vector<16xi32>,
    %gather3A = tpu.vector_load_idx %arg11[%add3A_39, %get3A_40] : memref<32x1024xf32, #tpu.memory_space<vmem>>[vector<16xi32>, vector<16xi32>], vector<16xf32>,
    %swap3A = arith.constant 0 : index
    %swap3A_41 = tpu.vector_load %arg13[%swap3A] {strides = array<i32>} : memref<32xf32, #tpu.memory_space<vmem>>, vector<16xf32>,
    tpu.vector_store %arg13[%swap3A], %gather3A {strides = array<i32>} : memref<32xf32, #tpu.memory_space<vmem>>, vector<16xf32>,
    %iota3A_42 = tpu.iota {dimensions = array<i32: 0>} : vector<16xi32>
    %add3A_43 = arith.constant 16 : i32
    %add3A_44 = vector.broadcast %add3A_43 : i32 to vector<16xi32>
    %add3A_45 = arith.addi %iota3A_42, %add3A_44 : vector<16xi32>
    %get3A_46 = arith.constant 16 : index
    %get3A_47 = tpu.vector_load %arg9[%get3A_46] {strides = array<i32>} : memref<32xi32, #tpu.memory_space<vmem>>, vector<16xi32>,
    %gather3A_48 = tpu.vector_load_idx %arg11[%add3A_45, %get3A_47] : memref<32x1024xf32, #tpu.memory_space<vmem>>[vector<16xi32>, vector<16xi32>], vector<16xf32>,
    %swap3A_49 = arith.constant 16 : index
    %swap3A_50 = tpu.vector_load %arg13[%swap3A_49] {strides = array<i32>} : memref<32xf32, #tpu.memory_space<vmem>>, vector<16xf32>,
    tpu.vector_store %arg13[%swap3A_49], %gather3A_48 {strides = array<i32>} : memref<32xf32, #tpu.memory_space<vmem>>, vector<16xf32>,
    %mul3A_51 = arith.constant 16 : i32
    %mul3A_52 = arith.muli %mul3A_2, %mul3A_51 : i32
    "tpu.region"() ({
      %run_scoped3A = tpu.sem_alloc : memref<!tpu.dma_semaphore, #tpu.memory_space<semaphore_mem>>
      %dma_start3A_53 = tpu.memref_slice %arg6[%mul3A_52] : memref<16384xf32, #tpu.memory_space<hbm>> -> memref<512xf32, #tpu.memory_space<hbm>>
      %dma_start3A_54 = tpu.memref_slice %arg6[%mul3A_52] : memref<16384xf32, #tpu.memory_space<hbm>> -> memref<512xf32, #tpu.memory_space<hbm>>
      tpu.enqueue_dma source(%arg12 : memref<512xf32, #tpu.memory_space<vmem>>) target(%dma_start3A_54 : memref<512xf32, #tpu.memory_space<hbm>>) target_semaphore(%run_scoped3A : memref<!tpu.dma_semaphore, #tpu.memory_space<semaphore_mem>>)
      %dma_wait3A_55 = tpu.memref_slice %arg6[%mul3A_52] : memref<16384xf32, #tpu.memory_space<hbm>> -> memref<512xf32, #tpu.memory_space<hbm>>
      %dma_wait3A_56 = tpu.memref_slice %arg6[%mul3A_52] : memref<16384xf32, #tpu.memory_space<hbm>> -> memref<512xf32, #tpu.memory_space<hbm>>
      tpu.wait_dma2 semaphore(%run_scoped3A : memref<!tpu.dma_semaphore, #tpu.memory_space<semaphore_mem>>) src(%arg12 : memref<512xf32, #tpu.memory_space<vmem>>) dst(%dma_wait3A_56 : memref<512xf32, #tpu.memory_space<hbm>>)
      tpu.yield
    }) : () -> ()
    "tpu.region"() ({
      %run_scoped3A = tpu.sem_alloc : memref<!tpu.dma_semaphore, #tpu.memory_space<semaphore_mem>>
      %dma_start3A_53 = tpu.memref_slice %arg7[%mul3A_2] : memref<1024xf32, #tpu.memory_space<hbm>> -> memref<32xf32, #tpu.memory_space<hbm>>
      %dma_start3A_54 = tpu.memref_slice %arg7[%mul3A_2] : memref<1024xf32, #tpu.memory_space<hbm>> -> memref<32xf32, #tpu.memory_space<hbm>>
      tpu.enqueue_dma source(%arg13 : memref<32xf32, #tpu.memory_space<vmem>>) target(%dma_start3A_54 : memref<32xf32, #tpu.memory_space<hbm>>) target_semaphore(%run_scoped3A : memref<!tpu.dma_semaphore, #tpu.memory_space<semaphore_mem>>)
      %dma_wait3A_55 = tpu.memref_slice %arg7[%mul3A_2] : memref<1024xf32, #tpu.memory_space<hbm>> -> memref<32xf32, #tpu.memory_space<hbm>>
      %dma_wait3A_56 = tpu.memref_slice %arg7[%mul3A_2] : memref<1024xf32, #tpu.memory_space<hbm>> -> memref<32xf32, #tpu.memory_space<hbm>>
      tpu.wait_dma2 semaphore(%run_scoped3A : memref<!tpu.dma_semaphore, #tpu.memory_space<semaphore_mem>>) src(%arg13 : memref<32xf32, #tpu.memory_space<vmem>>) dst(%dma_wait3A_56 : memref<32xf32, #tpu.memory_space<hbm>>)
      tpu.yield
    }) : () -> ()
    return
  }
}

module attributes {stable_mosaic.version = 14 : i64} {
  func.func @_expg_body(%arg0: memref<1000x128xf32, #tpu.memory_space<vmem>>, %arg1: memref<128x1024xf32, #tpu.memory_space<vmem>>, %arg2: memref<1000x1024xf32, #tpu.memory_space<vmem>>) attributes {dimension_semantics = [], scalar_prefetch = 0 : i64, scratch_operands = 0 : i64, tpu.core_type = #tpu.core_type<tc>} {
    %get3A = arith.constant 0 : index
    %get3A_0 = arith.constant 0 : index
    %get3A_1 = vector.load %arg0[%get3A, %get3A_0] : memref<1000x128xf32, #tpu.memory_space<vmem>>, vector<1000x128xf32>
    %get3A_2 = arith.constant 0 : index
    %get3A_3 = arith.constant 0 : index
    %get3A_4 = vector.load %arg1[%get3A_2, %get3A_3] : memref<128x1024xf32, #tpu.memory_space<vmem>>, vector<128x1024xf32>
    %dot_general3A = arith.constant dense<0.000000e+00> : vector<1000x1024xf32>
    %dot_general3A_5 = tpu.matmul %get3A_1, %get3A_4, %dot_general3A {dimension_numbers = #tpu.dot_dimension_numbers<[1], [0], [0], [1], [0, 0, 1, 1], [], []>, precision = #tpu.contract_precision<fp32>, transpose_lhs_hint = false} : vector<1000x128xf32>, vector<128x1024xf32>, vector<1000x1024xf32> -> vector<1000x1024xf32>
    %iota3A = tpu.iota {dimensions = array<i32: 1>} : vector<1000x1024xi32>
    %lt3A = arith.constant 1000 : i32
    %lt3A_6 = vector.broadcast %lt3A : i32 to vector<1000x1024xi32>
    %lt3A_7 = arith.cmpi slt, %iota3A, %lt3A_6 : vector<1000x1024xi32>
    %exp3A = math.exp %dot_general3A_5 : vector<1000x1024xf32>
    %jit3A = arith.constant 0.000000e+00 : f32
    %broadcast_in_dim3A = vector.broadcast %jit3A : f32 to vector<1000x1024xf32>
    %select_n3A = arith.select %lt3A_7, %exp3A, %broadcast_in_dim3A : vector<1000x1024xi1>, vector<1000x1024xf32>
    %swap3A = arith.constant 0 : index
    %swap3A_8 = arith.constant 0 : index
    %swap3A_9 = vector.load %arg2[%swap3A, %swap3A_8] : memref<1000x1024xf32, #tpu.memory_space<vmem>>, vector<1000x1024xf32>
    tpu.vector_store %arg2[%swap3A, %swap3A_8], %select_n3A {strides = array<i32>} : memref<1000x1024xf32, #tpu.memory_space<vmem>>, vector<1000x1024xf32>,
    return
  }
}

module attributes {stable_mosaic.version = 14 : i64} {
  func.func @_nll_body(%arg0: memref<1024x16xf32, #tpu.memory_space<vmem>>, %arg1: memref<8x128xf32, #tpu.memory_space<vmem>>, %arg2: memref<1x1xf32, #tpu.memory_space<smem>>) attributes {dimension_semantics = [], scalar_prefetch = 0 : i64, scratch_operands = 0 : i64, tpu.core_type = #tpu.core_type<tc>} {
    %get3A = arith.constant 0 : index
    %get3A_0 = arith.constant 0 : index
    %get3A_1 = vector.load %arg0[%get3A, %get3A_0] : memref<1024x16xf32, #tpu.memory_space<vmem>>, vector<1024x16xf32>
    %reduce_sum3A = arith.constant dense<0.000000e+00> : vector<1024xf32>
    %reduce_sum3A_2 = vector.multi_reduction <add>, %get3A_1, %reduce_sum3A [1] : vector<1024x16xf32> to vector<1024xf32>
    %broadcast_in_dim3A = vector.shape_cast %reduce_sum3A_2 : vector<1024xf32> to vector<1024x1xf32>
    %get3A_3 = arith.constant 0 : index
    %get3A_4 = arith.constant 0 : index
    %get3A_5 = vector.load %arg1[%get3A_3, %get3A_4] : memref<8x128xf32, #tpu.memory_space<vmem>>, vector<8x128xf32>
    %log3A = math.log %get3A_5 : vector<8x128xf32>
    %reduce_sum3A_6 = vector.shape_cast %log3A : vector<8x128xf32> to vector<1x8x128xf32>
    %reduce_sum3A_7 = arith.constant dense<0.000000e+00> : vector<1xf32>
    %reduce_sum3A_8 = vector.multi_reduction <add>, %reduce_sum3A_6, %reduce_sum3A_7 [1, 2] : vector<1x8x128xf32> to vector<1xf32>
    %reduce_sum3A_9 = vector.shape_cast %reduce_sum3A_8 : vector<1xf32> to vector<1x1x1xf32>
    %reduce_sum3A_10 = vector.extract %reduce_sum3A_9[0, 0, 0] : f32 from vector<1x1x1xf32>
    %log3A_11 = math.log %broadcast_in_dim3A : vector<1024x1xf32>
    %reduce_sum3A_12 = vector.shape_cast %log3A_11 : vector<1024x1xf32> to vector<1x1024x1xf32>
    %reduce_sum3A_13 = arith.constant dense<0.000000e+00> : vector<1xf32>
    %reduce_sum3A_14 = vector.multi_reduction <add>, %reduce_sum3A_12, %reduce_sum3A_13 [1, 2] : vector<1x1024x1xf32> to vector<1xf32>
    %reduce_sum3A_15 = vector.shape_cast %reduce_sum3A_14 : vector<1xf32> to vector<1x1x1xf32>
    %reduce_sum3A_16 = vector.extract %reduce_sum3A_15[0, 0, 0] : f32 from vector<1x1x1xf32>
    %sub3A = arith.subf %reduce_sum3A_10, %reduce_sum3A_16 : f32
    %div3A = arith.constant 1.024000e+03 : f32
    %div3A_17 = arith.divf %sub3A, %div3A : f32
    %neg3A = arith.constant 0.000000e+00 : f32
    %neg3A_18 = arith.subf %neg3A, %div3A_17 : f32
    %swap3A = arith.constant 0 : index
    %swap3A_19 = arith.constant 0 : index
    %swap3A_20 = memref.load %arg2[%swap3A, %swap3A_19] : memref<1x1xf32, #tpu.memory_space<smem>>
    memref.store %neg3A_18, %arg2[%swap3A, %swap3A_19] : memref<1x1xf32, #tpu.memory_space<smem>>
    return
  }
}

</mosaic_0001>

<sc_bundles>
// kernel: kernel.5.cloned.1.call-start
scs
__scs_entry_jumppad:
0x0: {  	(pc) =	sbr.rel $0x88, $3  }
0x1: {  	(tag) =	ssettag $0x0;
	lr =	simm.s32 $0x1  }
0x2: {  	[smem:$0x3F9C] =	sst lr;
	_ =	strace $0xD0000000  }
0x3: {  	_ = 	snop  }
0x4: {  	_ = 	snop  }
0x5: {  	_ = 	snop  }
0x6: {  	_ = 	snop  }
0x7: {  	_ = 	snop  }
__scs_overlays_trampoline_lowered:
0x8: {  	[smem:$0x3FAB] =	sst s0  }
0x9: {  	[smem:$0x3FAC] =	sst s1  }
0xa: {  	[smem:$0x3FAD] =	sst s2  }
0xb: {  	[smem:$0x3FAE] =	sst s3  }
0xc: {  	[smem:$0x3FAF] =	sst s4  }
0xd: {  	[smem:$0x3FB0] =	sst s5  }
0xe: {  	[smem:$0x3FB1] =	sst s6  }
0xf: {  	[smem:$0x3FB2] =	sst s7  }
0x10: {  	[smem:$0x3FB3] =	sst s8  }
0x11: {  	[smem:$0x3FB4] =	sst s9;
	s0 =	simm.s32 @!p0 $0x0  }
0x12: {  	s1 =	sld [smem:$0x3F9A];
	s0 =	simm.s32 @p0 $0x1  }
0x13: {  	[smem:$0x3FB5] =	sst s0;
	s0 =	simm.s32 @!p1 $0x0  }
0x14: {  	s2 =	sld [smem:$0x3F99];
	s0 =	simm.s32 @p1 $0x1  }
0x15: {  	[smem:$0x3FB6] =	sst s0;
	s0 =	simm.s32 @!p2 $0x0  }
0x16: {  	s3 =	sld [smem:$0x3FDB];
	s0 =	simm.s32 @p2 $0x1  }
0x17: {  	s4 =	simm.s32 $0x1BF5;
	[smem:$0x3FB8] =	sst s0  }
0x18: {  	s0 =	sld [smem:$0x3F9B];
	_ =	swait.ge [sflag:s4], $0x0  }
0x19: {  	s7 =	sld [smem:$0x3F9C]  }
0x1a: {  	s8 =	sadd.s32 $0xFFFFE003, lr  }
0x1b: {  	s9 =	sadd.s32 $0xFFFFFEF7, lr;
	s5 =	simm.s32 $0xFFFFFFFF;
	p2 =	slt.u32 s8, $0xFFFFF086  }
0x1c: {  	p1 =	slt.u32 s9, $0xF7A;
	s5 =	simm.s32 @!p2 $0x0  }
0x1d: {  	s5 =	simm.s32 @p1 $0x1;
	p0 =	seq.s32 s7, s2  }
0x1e: {  	s7 =	smul.u32 @!p0 $0xF7A, s2;
	p2 =	seq.s32 @!p0 s5, $0x0  }
0x1f: {  	s9 =	smul.u32 $0xF7A, s1;
	s8 =	simm.s32 @!p0 $0x1BF5;
	p2 =	por !p2, p0  }
0x20: {  	[sflag:s8] =	ssyncset.s32 @!p0 $0xFFFFF086;
	s6 =	sadd.s32 @!p0 s3, s7;
	s7 =	simm.s32 @!p0 $0x108  }
0x21: {  	s3 =	sadd.s32 s3, s9;
	s6 =	sadd.s32 @!p0 $0x88, s6;
	s7 =	simm.s32 @p2 $0x1082  }
0x22: {  	[simem:s7], [sflag:s8] =	dma.local @!p0 [hbm:s6], $0xF7A  }
0x23: {  	s9 =	sor.u32 $0xD0000000, s2;
	s6 =	simm.s32 $0x108;
	_ =	swait.ge @!p0 [sflag:s8], $0x0  }
0x24: {  	s3 =	sadd.s32 $0x88, s3;
	s6 =	simm.s32 @!p1 $0x1082;
	[sflag:s4] =	ssyncset.s32 $0xFFFFF086  }
0x25: {  	[simem:s6], [sflag:s4] =	dma.local [hbm:s3], $0xF7A  }
0x26: {  	[smem:$0x3F9C] =	sst s1;
	(tag) =	ssettag s2;
	_ =	strace s9  }
0x27: {  	s1 =	sld [smem:$0x3FAC]  }
0x28: {  	s2 =	sld [smem:$0x3FAD]  }
0x29: {  	s4 =	sld [smem:$0x3FAF]  }
0x2a: {  	p0 =	seq.s32 s5, $0x0;
	s5 =	sld [smem:$0x3FB0]  }
0x2b: {  	s6 =	sld [smem:$0x3FB1]  }
0x2c: {  	s7 =	sld [smem:$0x3FB2]  }
0x2d: {  	s3 =	simm.s32 $0x108;
	s8 =	sld [smem:$0x3FB3]  }
0x2e: {  	s3 =	simm.s32 @!p0 $0x1082;
	s9 =	sld [smem:$0x3FB4]  }
0x2f: {  	lr =	sadd.s32 s0, s3;
	s0 =	sld [smem:$0x3FAB]  }
0x30: {  	s3 =	sld [smem:$0x3FAE]  }
0x31: {  	[smem:$0x3FB7] =	sst s10  }
0x32: {  	s10 =	sld [smem:$0x3FB5];
	_ =	sdelay $0x3  }
0x33: {  	p0 =	seq.s32 s10, $0x1;
	s10 =	sld [smem:$0x3FB7];
	_ =	sdelay $0x3  }
0x34: {  	[smem:$0x3FB7] =	sst s10  }
0x35: {  	s10 =	sld [smem:$0x3FB6];
	_ =	sdelay $0x3  }
0x36: {  	p1 =	seq.s32 s10, $0x1;
	s10 =	sld [smem:$0x3FB7];
	_ =	sdelay $0x3  }
0x37: {  	[smem:$0x3FB7] =	sst s10  }
0x38: {  	s10 =	sld [smem:$0x3FB8]  }
0x39: {  	_ = 	snop;
	(pc) =	sbr.ind lr, $3  }
0x3a: {  	_ = 	snop  }
0x3b: {  	_ = 	snop  }
0x3c: {  	p2 =	seq.s32 s10, $0x1;
	s10 =	sld [smem:$0x3FB7]  }
0x3d: {  	_ =	shalt  }
0x3e: {  	_ =	shalt  }
0x3f: {  	_ =	shalt  }
0x40: {  	_ =	shalt  }
0x41: {  	_ =	shalt  }
0x42: {  	_ =	shalt  }
0x43: {  	_ =	shalt  }
0x44: {  	_ =	shalt  }
0x45: {  	_ =	shalt  }
0x46: {  	_ =	shalt  }
0x47: {  	_ =	shalt  }
0x48: {  	_ =	shalt  }
0x49: {  	_ =	shalt  }
0x4a: {  	_ =	shalt  }
0x4b: {  	_ =	shalt  }
0x4c: {  	_ =	shalt  }
0x4d: {  	_ =	shalt  }
0x4e: {  	_ =	shalt  }
0x4f: {  	_ =	shalt  }
0x50: {  	_ =	shalt  }
0x51: {  	_ =	shalt  }
0x52: {  	_ =	shalt  }
0x53: {  	_ =	shalt  }
0x54: {  	_ =	shalt  }
0x55: {  	_ =	shalt  }
0x56: {  	_ =	shalt  }
0x57: {  	_ =	shalt  }
0x58: {  	_ =	shalt  }
0x59: {  	_ =	shalt  }
0x5a: {  	_ =	shalt  }
0x5b: {  	_ =	shalt  }
0x5c: {  	_ =	shalt  }
0x5d: {  	_ =	shalt  }
0x5e: {  	_ =	shalt  }
0x5f: {  	_ =	shalt  }
0x60: {  	_ =	shalt  }
0x61: {  	_ =	shalt  }
0x62: {  	_ =	shalt  }
0x63: {  	_ =	shalt  }
0x64: {  	_ =	shalt  }
0x65: {  	_ =	shalt  }
0x66: {  	_ =	shalt  }
0x67: {  	_ =	shalt  }
0x68: {  	_ =	shalt  }
0x69: {  	_ =	shalt  }
0x6a: {  	_ =	shalt  }
0x6b: {  	_ =	shalt  }
0x6c: {  	_ =	shalt  }
0x6d: {  	_ =	shalt  }
0x6e: {  	_ =	shalt  }
0x6f: {  	_ =	shalt  }
0x70: {  	_ =	shalt  }
0x71: {  	_ =	shalt  }
0x72: {  	_ =	shalt  }
0x73: {  	_ =	shalt  }
0x74: {  	_ =	shalt  }
0x75: {  	_ =	shalt  }
0x76: {  	_ =	shalt  }
0x77: {  	_ =	shalt  }
0x78: {  	_ =	shalt  }
0x79: {  	_ =	shalt  }
0x7a: {  	_ =	shalt  }
0x7b: {  	_ =	shalt  }
0x7c: {  	_ =	shalt  }
0x7d: {  	_ =	shalt  }
0x7e: {  	_ =	shalt  }
0x7f: {  	_ =	shalt  }
0x80: {  	_ =	shalt  }
0x81: {  	_ =	shalt  }
0x82: {  	_ =	shalt  }
0x83: {  	_ =	shalt  }
0x84: {  	_ =	shalt  }
0x85: {  	_ =	shalt  }
0x86: {  	_ =	shalt  }
0x87: {  	_ =	shalt  }
.Lfunc_end0:
.L_simem_size_0:
called_computation_lowered:
.L_overlay_start_0:
0x88: {  	s2 =	sld [smem:$0x3FD9]  }
0x89: {  	s3 =	sld [smem:$0x3FFE];
	_ =	sdelay $0x1  }
0x8a: {  	s1 =	srdreg.scid  }
0x8b: {  	s0 =	sand.u32 $0x1, s1  }
0x8c: {  	s17 =	sshll.u32 s0, $0xA;
	s2 =	sadd.s32 s3, s2  }
0x8d: {  	s2 =	sadd.s32 s2, s17  }
0x8e: {  	[smem:$0x3FC3] =	sst s2  }
0x8f: {  	_ = 	snop  }
0x90: {  	s2 =	sld [smem:$0x3FC9]  }
0x91: {  	s18 =	sld [smem:$0x3FC8];
	(tm) =	ssettm $0x1  }
0x92: {  	s4 =	sld [smem:$0x3FFB];
	_ =	sdelay $0x3  }
0x93: {  	_ =	strace s4  }
0x94: {  	s4 =	sld [smem:$0x3FFC];
	_ =	sdelay $0x3  }
0x95: {  	_ =	strace s4  }
0x96: {  	s4 =	sld [smem:$0x3FFD];
	_ =	sdelay $0x3  }
0x97: {  	_ =	strace s4  }
0x98: {  	_ =	strace $0x8FFFFFFF  }
0x99: {  	s19 =	sld [smem:$0x3FDB];
	_ =	sdelay $0x1  }
0x9a: {  	s5 =	simm.s32 $_scs_section_size  }
0x9b: {  	s6 =	simm.s32 $_size__tile_overlayer_lowered;
	s7 =	simm.s32 $_tile_overlayer_lowered  }
0x9c: {  	s22 =	simm.s32 $0x1BFF;
	s21 =	sshll.u32 s7, $0x1;
	s4 =	sadd.s32 s5, s19  }
0x9d: {  	s8 =	simm.s32 $0x0;
	s20 =	sshll.u32 s6, $0x1;
	s6 =	sadd.s32 s21, s4  }
0x9e: {  	[timem:s8], [sflag:s22] =	dma.local [hbm:s6], s20  }
0x9f: {  	_ =	swait.ge [sflag:s22], s20  }
0xa0: {  	s5 =	ssub.s32 $0x0, s20;
	[sflag:s22] =	ssyncset.done $0x0  }
0xa1: {  	[sflag:s22] =	ssyncadd.s32 s5;
	_ =	sdelay $0x1  }
0xa2: {  	s23 =	simm.s32 $0x1B8B  }
0xa3: {  	_ =	swait.ge [sflag:s23], $0x1  }
0xa4: {  	[sflag:s23] =	ssyncset.done $0x0  }
0xa5: {  	s25 =	simm.s32 $0x1B8E;
	s24 =	sld [smem:$0x3FFE];
	[sflag:s23] =	ssyncadd.s32 $0xFFFFFFFF  }
0xa6: {  	s26 =	simm.s32 $execute0_lowered;
	[smem:$0x3FD2] =	sst s25  }
0xa7: {  	s6 =	sshll.u32 s26, $0x1;
	_ =	strace $0x80000046;
	[dreg:$0x1] =	wrdreg $0xFFFFFFFF  }
0xa8: {  	s28 =	simm.s32 $_size_execute0_lowered;
	s4 =	sadd.s32 s4, s6;
	[dreg:$0x0] =	wrdreg $0x0  }
0xa9: {  	s6 =	sshll.u32 s28, $0x1;
	[dreg:$0x2] =	wrdreg s4  }
0xaa: {  	[dreg:$0x3] =	wrdreg s6  }
0xab: {  	[dreg:$0x4] =	wrdreg $0xC0  }
0xac: {  	_ =	task [dreg:s8], $0x5FFFF  }
0xad: {  	[dreg:$0x1] =	wrdreg $0xFFFFFFFF  }
0xae: {  	[dreg:$0x0] =	wrdreg $0x60  }
0xaf: {  	[dreg:$0x2] =	wrdreg s24  }
0xb0: {  	[dreg:$0x3] =	wrdreg s2  }
0xb1: {  	[dreg:$0x4] =	wrdreg s18  }
0xb2: {  	[dreg:$0x5] =	wrdreg $0x9  }
0xb3: {  	_ =	task.clear_ibuf [dreg:s8], $0x6FFFF;
	_ =	strace $0x90000046  }
0xb4: {  	s29 =	simm.s32 $0x9;
	_ =	strace $0x80000048  }
0xb5: {  	_ =	swait.ge [sflag:s29], $0x1  }
0xb6: {  	[sflag:s29] =	ssyncadd.s32 $0xFFFFFFFF  }
0xb7: {  	_ =	strace $0x90000048  }
0xb8: {  	_ =	sfence  }
0xb9: {  	s30 =	sld [smem:$0x0];
	_ =	sdelay $0x2  }
0xba: {  	s31 =	sshll.u32 s1, $0xD;
	s1 =	sshrl.u32 s1, $0x2  }
0xbb: {  	s3 =	sand.u32 $0x4000, s31;
	s1 =	sadd.s32 s1, s30  }
0xbc: {  	s0 =	sor.u32 s3, s0;
	s1 =	sshll.u32 s1, $0x11  }
0xbd: {  	s0 =	sor.u32 s1, s0  }
0xbe: {  	s0 =	sadd.s32 $0x8F2B, s0  }
0xbf: {  	[sflag:s0] =	ssyncadd.remote.s32 $0x1  }
0xc0: {  	_ =	sfence.sel $0xFFFF  }
0xc1: {  	[dreg:$0x0] =	wrdreg $0xFFFFFFFF;
	(pc) =	sbr.abs _section_cstart, $3  }
0xc2: {  	[dreg:$0x1] =	wrdreg $0xFFFFFFFF  }
0xc3: {  	_ =	task.clear_ibuf [dreg:s8], $0x2FFFF;
	_ =	strace $0x9FFFFFFF  }
0xc4: {  	(tm) =	ssettm $0x7FFFFFFF  }
0xc5: {  	_ =	shalt  }
tec
execute0_lowered:
.L_overlay_start_1:
0x0: {  	(tag) =	ssettag $0x1  }
0x1: {  	s4 =	rddreg [dreg:$0x0]  }
0x2: {  	s1 =	srdreg.scid;
	s5 =	rddreg [dreg:$0x1]  }
0x3: {  	s0 =	stileid.u32;
	s7 =	rddreg [dreg:$0x2];
	s2 =	simm.s32 $0x0  }
0x4: {  	s13 =	simm.s32 $0x7D50;
	s14 =	simm.s32 $0x2;
	s15 =	simm.s32 $0x4  }
0x5: {  	s16 =	simm.s32 $0x3;
	s17 =	simm.s32 $0xFD50;
	s18 =	simm.s32 $0x5  }
0x6: {  	s19 =	simm.s32 $0xFF50;
	s6 =	sand.u32 $0x1, s1;
	s1 =	rddreg [dreg:$0x3]  }
0x7: {  	s20 =	simm.s32 $0x0;
	s30 =	sshll.u32 s0, $0x1;
	[smem:$0x7FF] =	sst s2  }
0x8: {  	s3 =	sadd.s32 $0xA00, s4;
	s8 =	sor.u32 s6, s30;
	_ =	strace $0x80000047  }
0x9: {  	s6 =	ssub.s32 $0x2, s6;
	s9 =	smul.u32 $0xFA0, s8;
	s10 =	sshll.u32 s8, $0x6  }
0xa: {  	v0 =	vlaneseq.u32;
	s8 =	sshll.u32 s8, $0x2;
	s31 =	sshrl.u32 s6, $0x1;
	s10 =	sadd.s32 s10, s4  }
0xb: {  	v0 =	vmul.u32 $0x400, v0;
	s11 =	sadd.s32 s8, s4;
	s12 =	ssub.s32 s6, s31;
	s6 =	sadd.s32 s7, s8  }
0xc: {  	s9 =	sadd.s32 s9, s4;
	s4 =	sadd.s32 s5, s8;
	s7 =	sadd.s32 $0x3F200, s10  }
0xd: {  	[tilespmem:$0x1FFE0] =	vst v0;
	v0 =	vor.u32 $0x4000, v0;
	s8 =	sadd.s32 $0x3FA00, s11;
	s10 =	simm.s32 $0x40;
	s11 =	simm.s32 $0x20  }
0xe: {  	vm0 =	vmmov $0xff;
	[tilespmem:$0x1FFF0] =	vst v0;
	s5 =	sadd.s32 $0x1FE00, s9;
	s9 =	smax.u32 s12, $0x1;
	s12 =	simm.s32 $0x1  }
.LBB2_1:
0xf: {  	[tilespmem:s2], [sflag:$0x1] =	stream.linear.gather [hbm4b:s4+s2], $0x20, $0x38;
	[tilespmem:$0xFF70] =	vst v63  }
0x10: {  	_ = 	snop  }
0x11: {  	[tilespmem:s10], [sflag:$0x2] =	stream.linear.gather [hbm4b:s5+s2], $0x7D00, $0x38;
	[tilespmem:$0xFF70] =	vst v63  }
0x12: {  	_ = 	snop  }
0x13: {  	[tilespmem:s11], [sflag:$0x3] =	stream.linear.gather [hbm4b:s6+s2], $0x20, $0x38;
	[tilespmem:$0xFF70] =	vst v63  }
0x14: {  	_ =	swait.ge [sflag:s12], $0x20  }
0x15: {  	[sflag:s12] =	ssyncset.done $0x0  }
0x16: {  	[sflag:s12] =	ssyncadd.s32 $0xFFFFFFE0  }
0x17: {  	[tilespmem:s13], [sflag:$0x4] =	stream.indirect.gather [hbm4b:s3+s11], $0x400, s2, s11, $0xb8;
	[tilespmem:$0xFF70] =	vst v63  }
0x18: {  	_ =	swait.ge [sflag:s14], $0x7D00  }
0x19: {  	[sflag:s14] =	ssyncset.done $0x0  }
0x1a: {  	[sflag:s14] =	ssyncadd.s32 $0xFFFF8300  }
0x1b: {  	_ =	swait.ge [sflag:s15], $0x8000  }
0x1c: {  	[sflag:s15] =	ssyncset.done $0x0  }
0x1d: {  	s21 =	simm.s32 $0x230;
	[sflag:s15] =	ssyncadd.s32 $0xFFFF8000  }
0x1e: {  	v7 =	vld [tilespmem:s21+$0xFFFFFE50]  }
0x1f: {  	v21 =	vld [tilespmem:s21+$0xFFFFFE30]  }
0x20: {  	v2 =	vld [tilespmem:s21+$0xFFFFFE40]  }
0x21: {  	v9 =	vld [tilespmem:s21+$0xFFFFFE60]  }
0x22: {  	v3 =	vld [tilespmem:s21+$0xFFFFFE90]  }
0x23: {  	v14 =	vld [tilespmem:s21+$0xFFFFFE70]  }
0x24: {  	v4 =	vld [tilespmem:s21+$0xFFFFFE80]  }
0x25: {  	v18 =	vld [tilespmem:s21+$0xFFFFFEA0]  }
0x26: {  	v19 =	vld [tilespmem:s21+$0xFFFFFED0]  }
0x27: {  	v6 =	vld [tilespmem:s21+$0xFFFFFEB0]  }
0x28: {  	v8 =	vld [tilespmem:s21+$0xFFFFFEC0]  }
0x29: {  	v12 =	vld [tilespmem:s21+$0xFFFFFF10]  }
0x2a: {  	v13 =	vld [tilespmem:s21+$0x1F0]  }
0x2b: {  	v25 =	vld [tilespmem:s21+$0xFFFFFF60]  }
0x2c: {  	v52 =	vld [tilespmem:s21+$0x1B0]  }
0x2d: {  	v53 =	vld [tilespmem:s21+$0xFFFFFEE0]  }
0x2e: {  	v55 =	vld [tilespmem:s21+$0xFFFFFEF0]  }
0x2f: {  	v26 =	vld [tilespmem:s21+$0xFFFFFF00]  }
0x30: {  	v27 =	vld [tilespmem:s21+$0xFFFFFF20]  }
0x31: {  	v28 =	vld [tilespmem:s21+$0xFFFFFF50]  }
0x32: {  	v30 =	vld [tilespmem:s21+$0xFFFFFF30]  }
0x33: {  	v23 =	vld [tilespmem:s21+$0xFFFFFF90]  }
0x34: {  	v29 =	vld [tilespmem:s21+$0xFFFFFF70]  }
0x35: {  	v31 =	vld [tilespmem:s21+$0xFFFFFF80];
	v5 =	vand.u32 $0xFFFFFFF8, v2;
	v2 =	vand.u32 $0x7, v2  }
0x36: {  	v34 =	vld [tilespmem:s21+$0x1D0];
	v48 =	vand.u32 $0xFFFFFFF8, v3;
	v3 =	vand.u32 $0x7, v3;
	v10 =	vand.u32 $0xFFFFFFF8, v4  }
0x37: {  	v17 =	vld [tilespmem:s21+$0xFFFFFF40];
	v4 =	vand.u32 $0x7, v4;
	v15 =	vand.u32 $0xFFFFFFF8, v8;
	v50 =	vand.u32 $0x7, v8  }
0x38: {  	v63 =	vld [tilespmem:s21+$0x170];
	v56 =	vand.u32 $0xFFFFFFF8, v53;
	v59 =	vand.u32 $0xFFFFFFF8, v7;
	v60 =	vand.u32 $0xFFFFFFF8, v23  }
0x39: {  	v41 =	vld [tilespmem:s21+$0xFFFFFFA0];
	v32 =	vand.u32 $0xFFFFFFF8, v29;
	v33 =	vand.u32 $0x7, v23;
	v29 =	vand.u32 $0x7, v29  }
0x3a: {  	v43 =	vld [tilespmem:s21+$0xFFFFFFB0];
	v7 =	vand.u32 $0x7, v7;
	v61 =	vand.u32 $0xFFFFFFF8, v31;
	v31 =	vand.u32 $0x7, v31  }
0x3b: {  	s22 =	simm.s32 $0x0;
	v23 =	vld [tilespmem:s21+$0xFFFFFFE0];
	v62 =	vand.u32 $0x7, v9;
	v9 =	vand.u32 $0xFFFFFFF8, v9;
	v45 =	vand.u32 $0xFFFFFFF8, v34  }
0x3c: {  	v46 =	vand.u32 $0x7, v34;
	v34 =	vld [tilespmem:s21+$0xFFFFFFF0];
	v5 =	vadd.s32 s22, v5;
	v10 =	vadd.s32 s22, v10  }
0x3d: {  	v49 =	vadd.s32 s22, v15;
	v15 =	vand.u32 $0x7, v53;
	v53 =	vld [tilespmem:s21+$0xFFFFFFC0];
	v2 =	vor.u32 v2, v5  }
0x3e: {  	v44 =	vand.u32 $0xFFFFFFF8, v14;
	v32 =	vadd.s32 s22, v32;
	v10 =	vor.u32 v4, v10;
	v4 =	vld [tilespmem:s21+$0x1C0]  }
0x3f: {  	v39 =	vand.u32 $0x7, v14;
	v42 =	vadd.s32 s22, v44;
	v32 =	vor.u32 v29, v32;
	v29 =	vld [tilespmem:s21+$0x90]  }
0x40: {  	v36 =	vadd.s32 s22, v61;
	v5 =	vadd.s32 s22, v48;
	v39 =	vor.u32 v39, v42;
	v42 =	vld [tilespmem:s21+$0x110]  }
0x41: {  	v37 =	vadd.s32 s22, v59;
	v9 =	vadd.s32 s22, v9;
	v5 =	vor.u32 v3, v5;
	v3 =	vld [tilespmem:s21+$0x1E0]  }
0x42: {  	v31 =	vor.u32 v31, v36;
	v36 =	vor.u32 v7, v37;
	v37 =	vor.u32 v62, v9;
	v22 =	vld.idx.msk [tilespmem:v2+s13+$0x0], $0xffff  }
0x43: {  	v51 =	vand.u32 $0x3FF, v13;
	v54 =	vand.u32 $0xFFFFFFF8, v52;
	v8 =	vand.u32 $0x7, v52;
	v24 =	vld.idx.msk [tilespmem:v10+s13+$0x0], $0xffff  }
0x44: {  	v57 =	vand.u32 $0xFFFFFFF8, v12;
	v12 =	vand.u32 $0x7, v12;
	v16 =	vand.u32 $0xFFFFFFF8, v55;
	v14 =	vld.idx.msk [tilespmem:v32+s13+$0x0], $0xffff  }
0x45: {  	v58 =	vand.u32 $0xFFFFFFF8, v17;
	v17 =	vand.u32 $0x7, v17;
	v35 =	vand.u32 $0xFFFFFFF8, v21;
	v39 =	vld.idx.msk [tilespmem:v39+s13+$0x0], $0xffff  }
0x46: {  	v40 =	vand.u32 $0xFFFFFFF8, v18;
	v21 =	vand.u32 $0x7, v21;
	v11 =	vld.idx.msk [tilespmem:v5+s13+$0x0], $0xffff;
	v5 =	vor.u32 v50, v49  }
0x47: {  	v13 =	vor.u32 s22, v51;
	v16 =	vadd.s32 s22, v16;
	v38 =	vadd.s32 s22, v35;
	v37 =	vld.idx.msk [tilespmem:v37+s13+$0x0], $0xffff  }
0x48: {  	v47 =	vadd.s32 s22, v40;
	v2 =	vand.u32 $0xFFFFFFF8, v6;
	v49 =	vand.u32 $0x7, v18;
	v18 =	vld.idx.msk [tilespmem:v31+s13+$0x0], $0xffff  }
0x49: {  	v51 =	vand.u32 $0x7, v63;
	v6 =	vand.u32 $0x7, v6;
	v2 =	vadd.s32 s22, v2;
	v31 =	vld [tilespmem:s21+$0xFFFFFFD0]  }
0x4a: {  	v61 =	vand.u32 $0xFFFFFFF8, v28;
	v50 =	vand.u32 $0xFFFFFFF8, v63;
	v2 =	vor.u32 v6, v2;
	v6 =	vld [tilespmem:s21+$0x1A0]  }
0x4b: {  	v40 =	vand.u32 $0x7, v53;
	v52 =	vadd.s32 s22, v50;
	v20 =	vld.idx.msk [tilespmem:v5+s13+$0x0], $0xffff;
	v5 =	vadd.s32 s22, v54  }
0x4c: {  	v50 =	vadd.s32 s22, v61;
	v61 =	vld [tilespmem:s21+$0x100];
	v5 =	vor.u32 v8, v5;
	v8 =	vadd.s32 s22, v56  }
0x4d: {  	v35 =	vor.u32 v49, v47;
	v49 =	vand.u32 $0xFFFFFFF8, v53;
	v53 =	vld [tilespmem:s21+$0xF0];
	v8 =	vor.u32 v15, v8  }
0x4e: {  	v28 =	vand.u32 $0x7, v28;
	v48 =	vand.u32 $0x7, v19;
	v62 =	vadd.s32 s22, v49;
	v49 =	vld [tilespmem:s21+$0x190]  }
0x4f: {  	v22 =	vadd.f32 $0.0e+00, v22;
	v54 =	vor.u32 v51, v52;
	v10 =	vld.idx.msk [tilespmem:v2+s13+$0x0], $0xffff;
	v15 =	vadd.s32 s22, v57  }
0x50: {  	v2 =	vld.idx.msk [tilespmem:v13+s13+$0x0], $0xff;
	v13 =	vand.u32 $0x7, v55;
	v56 =	vand.u32 $0xFFFFFFF8, v26;
	v15 =	vor.u32 v12, v15  }
0x51: {  	v52 =	vld.idx.msk [tilespmem:v36+s13+$0x0], $0xffff;
	v55 =	vand.u32 $0xFFFFFFF8, v41;
	v26 =	vand.u32 $0x7, v26;
	v59 =	vadd.s32 s22, v56  }
0x52: {  	v57 =	vand.u32 $0x7, v41;
	v41 =	vor.u32 v26, v59;
	v12 =	vld.idx.msk [tilespmem:v8+s13+$0x0], $0xffff;
	v8 =	vadd.s32 s22, v58  }
0x53: {  	v44 =	vadd.f32 v24, v22;
	v22 =	vld [tilespmem:s21+$0x140];
	v17 =	vor.u32 v17, v8;
	v8 =	vadd.s32 s22, v60  }
0x54: {  	v19 =	vand.u32 $0xFFFFFFF8, v19;
	v21 =	vor.u32 v21, v38;
	v58 =	vld [tilespmem:s21+$0x10];
	v33 =	vor.u32 v33, v8  }
0x55: {  	v19 =	vadd.s32 s22, v19;
	v13 =	vor.u32 v13, v16;
	v9 =	vadd.s32 s22, v55;
	v16 =	vld.idx.msk [tilespmem:v15+s13+$0x0], $0xffff  }
0x56: {  	v63 =	vand.u32 $0x7, v25;
	v25 =	vand.u32 $0xFFFFFFF8, v25;
	v60 =	vor.u32 v57, v9;
	v57 =	vld [tilespmem:s21+$0x130]  }
0x57: {  	v47 =	vand.u32 $0xFFFFFFF8, v30;
	v30 =	vand.u32 $0x7, v30;
	v50 =	vor.u32 v28, v50;
	v41 =	vld.idx.msk [tilespmem:v41+s13+$0x0], $0xffff  }
0x58: {  	v25 =	vadd.s32 s22, v25;
	v47 =	vadd.s32 s22, v47;
	v40 =	vor.u32 v40, v62;
	v15 =	vld.idx.msk [tilespmem:v17+s13+$0x0], $0xffff  }
0x59: {  	v55 =	vand.u32 $0xFFFFFFF8, v49;
	v49 =	vand.u32 $0x7, v49;
	v17 =	vld.idx.msk [tilespmem:v33+s13+$0x0], $0xffff;
	v33 =	vadd.s32 s22, v45  }
0x5a: {  	v35 =	vld.idx.msk [tilespmem:v35+s13+$0x0], $0xffff;
	v59 =	vand.u32 $0x7, v31;
	v20 =	vadd.f32 v20, v44;
	v32 =	vor.u32 v46, v33  }
0x5b: {  	v51 =	vand.u32 $0xFFFFFFF8, v58;
	v33 =	vor.u32 v48, v19;
	v46 =	vld [tilespmem:s21+$0x0];
	v48 =	vand.u32 $0xFFFFFFF8, v43  }
0x5c: {  	v50 =	vld.idx.msk [tilespmem:v50+s13+$0x0], $0xffff;
	v20 =	vadd.f32 v41, v20;
	v43 =	vand.u32 $0x7, v43;
	v48 =	vadd.s32 s22, v48  }
0x5d: {  	v26 =	vld.idx.msk [tilespmem:v40+s13+$0x0], $0xffff;
	v45 =	vand.u32 $0x7, v27;
	v27 =	vand.u32 $0xFFFFFFF8, v27;
	v43 =	vor.u32 v43, v48  }
0x5e: {  	v9 =	vld.idx.msk [tilespmem:v54+s13+$0x0], $0xffff;
	v51 =	vadd.s32 s22, v51;
	v36 =	vand.u32 $0x7, v57;
	v27 =	vadd.s32 s22, v27  }
0x5f: {  	v48 =	vadd.s32 s22, v55;
	v15 =	vadd.f32 v15, v20;
	v7 =	vld.idx.msk [tilespmem:v32+s13+$0x0], $0xffff;
	v32 =	vand.u32 $0x7, v58  }
0x60: {  	v24 =	vld.idx.msk [tilespmem:v60+s13+$0x0], $0xffff;
	v58 =	vand.u32 $0xFFFFFFF8, v31;
	v60 =	vand.u32 $0xFFFFFFF8, v46;
	v62 =	vand.u32 $0x7, v46  }
0x61: {  	v15 =	vadd.f32 v18, v15;
	v56 =	vor.u32 v32, v51;
	v32 =	vor.u32 v63, v25;
	v63 =	vld [tilespmem:s21+$0xFFFFFE10]  }
0x62: {  	v40 =	vadd.s32 s22, v60;
	v25 =	vld.idx.msk [tilespmem:v43+s13+$0x0], $0xffff;
	v43 =	vor.u32 v45, v27;
	v45 =	vor.u32 v30, v47  }
0x63: {  	v54 =	vld [tilespmem:s21+$0xB0];
	v27 =	vadd.s32 s22, v58;
	v28 =	vor.u32 v62, v40;
	v40 =	vor.u32 v49, v48  }
0x64: {  	v55 =	vld [tilespmem:s21+$0xD0];
	v58 =	vand.u32 $0xFFFFFFF8, v61;
	v47 =	vand.u32 $0x7, v61;
	v62 =	vand.u32 $0xFFFFFFF8, v53  }
0x65: {  	v49 =	vld [tilespmem:s21+$0xFFFFFE20];
	v15 =	vadd.f32 v26, v15;
	v31 =	vor.u32 v59, v27;
	v51 =	vadd.s32 s22, v62  }
0x66: {  	v27 =	vld.idx.msk [tilespmem:v56+s13+$0x0], $0xffff;
	v56 =	vand.u32 $0xFFFFFFF8, v57;
	v59 =	vand.u32 $0xFFFFFFF8, v63;
	v60 =	vand.u32 $0x7, v63  }
0x67: {  	v5 =	vld.idx.msk [tilespmem:v5+s13+$0x0], $0xffff;
	v63 =	vand.u32 $0x7, v53;
	v57 =	vadd.s32 s22, v56;
	v61 =	vadd.s32 s22, v59  }
0x68: {  	v13 =	vld.idx.msk [tilespmem:v13+s13+$0x0], $0xffff;
	v56 =	vand.u32 $0xFFFFFFF8, v42;
	v42 =	vand.u32 $0x7, v42;
	v46 =	vor.u32 v63, v51  }
0x69: {  	v8 =	vld [tilespmem:s21+$0x180];
	v63 =	vand.u32 $0x7, v55;
	v48 =	vor.u32 v36, v57;
	v36 =	vadd.s32 s22, v58  }
0x6a: {  	v19 =	vld [tilespmem:s21+$0x160];
	v38 =	vor.u32 v60, v61;
	v60 =	vand.u32 $0xFFFFFFF8, v49;
	v49 =	vand.u32 $0x7, v49  }
0x6b: {  	v33 =	vld.idx.msk [tilespmem:v33+s13+$0x0], $0xffff;
	v56 =	vadd.s32 s22, v56;
	v61 =	vand.u32 $0xFFFFFFF8, v54;
	v58 =	vand.u32 $0xFFFFFFF8, v55  }
0x6c: {  	v57 =	vld [tilespmem:s21+$0x60];
	v54 =	vand.u32 $0x7, v54;
	v47 =	vor.u32 v47, v36;
	v53 =	vadd.s32 s22, v60  }
0x6d: {  	v42 =	vor.u32 v42, v56;
	v56 =	vld.idx.msk [tilespmem:v21+s13+$0x0], $0xffff;
	v51 =	vadd.s32 s22, v61;
	v62 =	vadd.s32 s22, v58  }
0x6e: {  	v60 =	vand.u32 $0xFFFFFFF8, v29;
	v29 =	vand.u32 $0x7, v29;
	v49 =	vor.u32 v49, v53;
	v53 =	vld [tilespmem:s21+$0x50]  }
0x6f: {  	v21 =	vld.idx.msk [tilespmem:v40+s13+$0x0], $0xffff;
	v51 =	vor.u32 v54, v51;
	v40 =	vor.u32 v63, v62;
	v63 =	vand.u32 $0xFFFFFFF8, v23  }
0x70: {  	v55 =	vadd.s32 s22, v60;
	v23 =	vand.u32 $0x7, v23;
	v44 =	vadd.s32 s22, v63;
	v38 =	vld.idx.msk [tilespmem:v38+s13+$0x0], $0xffff  }
0x71: {  	v29 =	vor.u32 v29, v55;
	v63 =	vld [tilespmem:s21+$0x40];
	v23 =	vor.u32 v23, v44;
	v61 =	vand.u32 $0xFFFFFFF8, v57  }
0x72: {  	v60 =	vld [tilespmem:s21+$0x20];
	v57 =	vand.u32 $0x7, v57;
	v58 =	vadd.s32 s22, v61;
	v56 =	vadd.f32 $0.0e+00, v56  }
0x73: {  	v61 =	vand.u32 $0xFFFFFFF8, v34;
	v34 =	vand.u32 $0x7, v34;
	v49 =	vld.idx.msk [tilespmem:v49+s13+$0x0], $0xffff;
	v62 =	vand.u32 $0xFFFFFFF8, v53  }
0x74: {  	v54 =	vor.u32 v57, v58;
	v53 =	vand.u32 $0x7, v53;
	v55 =	vadd.s32 s22, v62;
	v62 =	vld [tilespmem:s21+$0x30]  }
0x75: {  	v30 =	vld [tilespmem:s21+$0x120];
	v39 =	vadd.f32 v39, v56;
	v56 =	vadd.s32 s22, v61;
	v38 =	vadd.f32 $0.0e+00, v38  }
0x76: {  	v59 =	vand.u32 $0xFFFFFFF8, v63;
	v61 =	vld.idx.msk [tilespmem:v45+s13+$0x0], $0xffff;
	v53 =	vor.u32 v53, v55;
	v34 =	vor.u32 v34, v56  }
0x77: {  	v32 =	vld.idx.msk [tilespmem:v32+s13+$0x0], $0xffff;
	v56 =	vand.u32 $0xFFFFFFF8, v60;
	v10 =	vadd.f32 v10, v39;
	v38 =	vadd.f32 v52, v38  }
0x78: {  	v44 =	vld [tilespmem:s21+$0xA0];
	v49 =	vadd.f32 $0.0e+00, v49;
	v52 =	vand.u32 $0x7, v60;
	v60 =	vadd.s32 s22, v59  }
0x79: {  	v43 =	vld.idx.msk [tilespmem:v43+s13+$0x0], $0xffff;
	v10 =	vadd.f32 v13, v10;
	v57 =	vand.u32 $0xFFFFFFF8, v62;
	v58 =	vand.u32 $0x7, v62  }
0x7a: {  	v62 =	vand.u32 $0x7, v63;
	v63 =	vld [tilespmem:s21+$0xE0];
	v11 =	vadd.f32 v11, v38;
	v37 =	vadd.f32 v37, v49  }
0x7b: {  	v39 =	vadd.s32 s22, v57;
	v10 =	vadd.f32 v61, v10;
	v61 =	vld.idx.msk [tilespmem:v40+s13+$0x0], $0xffff;
	v40 =	vand.u32 $0xFFFFFFF8, v30  }
0x7c: {  	v36 =	vld [tilespmem:s21+$0x150];
	v11 =	vadd.f32 v33, v11;
	v35 =	vadd.f32 v35, v37;
	v37 =	vadd.s32 s22, v56  }
0x7d: {  	v31 =	vld.idx.msk [tilespmem:v31+s13+$0x0], $0xffff;
	v56 =	vand.u32 $0xFFFFFFF8, v44;
	v44 =	vand.u32 $0x7, v44;
	v10 =	vadd.f32 v14, v10  }
0x7e: {  	v38 =	vld [tilespmem:s21+$0x70];
	v37 =	vor.u32 v52, v37;
	v57 =	vadd.s32 s22, v56;
	v56 =	vand.u32 $0xFFFFFFF8, v6  }
0x7f: {  	v23 =	vld.idx.msk [tilespmem:v23+s13+$0x0], $0xffff;
	v6 =	vand.u32 $0x7, v6;
	v11 =	vadd.f32 v16, v11;
	v16 =	vor.u32 v58, v39  }
0x80: {  	v54 =	vld.idx.msk [tilespmem:v54+s13+$0x0], $0xffff;
	v12 =	vadd.f32 v12, v35;
	v35 =	vor.u32 v62, v60;
	v59 =	vand.u32 $0xFFFFFFF8, v63  }
0x81: {  	v33 =	vld [tilespmem:s21+$0x80];
	v13 =	vand.u32 $0x7, v63;
	v62 =	vand.u32 $0xFFFFFFF8, v36;
	v63 =	vand.u32 $0x7, v36  }
0x82: {  	v39 =	vld.idx.msk [tilespmem:v47+s13+$0x0], $0xffff;
	v10 =	vadd.f32 v25, v10;
	v47 =	vand.u32 $0xFFFFFFF8, v22;
	v22 =	vand.u32 $0x7, v22  }
0x83: {  	v52 =	vld [tilespmem:s21+$0xC0];
	v49 =	vand.u32 $0xFFFFFFF8, v38;
	v38 =	vand.u32 $0x7, v38;
	v60 =	vadd.s32 s22, v59  }
0x84: {  	v36 =	vld.idx.msk [tilespmem:v34+s13+$0x0], $0xffff;
	v18 =	vadd.s32 s22, v62;
	v59 =	vand.u32 $0xFFFFFFF8, v3;
	v11 =	vadd.f32 v50, v11  }
0x85: {  	v3 =	vand.u32 $0x7, v3;
	v45 =	vadd.s32 s22, v49;
	v12 =	vadd.f32 v43, v12;
	v43 =	vld.idx.msk [tilespmem:v48+s13+$0x0], $0xffff  }
0x86: {  	v13 =	vor.u32 v13, v60;
	v11 =	vadd.f32 v17, v11;
	v17 =	vor.u32 v44, v57;
	v44 =	vld.idx.msk [tilespmem:v46+s13+$0x0], $0xffff  }
0x87: {  	v18 =	vor.u32 v63, v18;
	v49 =	vadd.s32 s22, v47;
	v12 =	vadd.f32 v32, v12;
	v32 =	vld.idx.msk [tilespmem:v42+s13+$0x0], $0xffff  }
0x88: {  	v50 =	vand.u32 $0xFFFFFFF8, v19;
	v19 =	vand.u32 $0x7, v19;
	v38 =	vor.u32 v38, v45;
	v42 =	vld.idx.msk [tilespmem:v28+s13+$0x0], $0xffff  }
0x89: {  	v55 =	vand.u32 $0xFFFFFFF8, v33;
	v33 =	vand.u32 $0x7, v33;
	v22 =	vor.u32 v22, v49;
	v46 =	vld.idx.msk [tilespmem:v53+s13+$0x0], $0xffff  }
0x8a: {  	v45 =	vadd.s32 s22, v55;
	v58 =	vand.u32 $0xFFFFFFF8, v52;
	v41 =	vand.u32 $0x7, v52;
	v48 =	vld.idx.msk [tilespmem:v37+s13+$0x0], $0xffff  }
0x8b: {  	v52 =	vld.idx.msk [tilespmem:v29+s13+$0x0], $0xffff;
	v53 =	vand.u32 $0xFFFFFFF8, v8;
	v8 =	vand.u32 $0x7, v8;
	v33 =	vor.u32 v33, v45  }
0x8c: {  	v20 =	vadd.s32 s22, v58;
	v45 =	vand.u32 $0x7, v30;
	v16 =	vld.idx.msk [tilespmem:v16+s13+$0x0], $0xffff;
	v10 =	vadd.f32 v36, v10  }
0x8d: {  	v14 =	vor.u32 v41, v20;
	v41 =	vld.idx.msk [tilespmem:v51+s13+$0x0], $0xffff;
	v11 =	vadd.f32 v31, v11;
	v12 =	vadd.f32 v24, v12  }
0x8e: {  	v58 =	vand.u32 $0xFFFFFFF8, v4;
	v4 =	vand.u32 $0x7, v4;
	v24 =	vadd.s32 s22, v40;
	v51 =	vld.idx.msk [tilespmem:v35+s13+$0x0], $0xffff  }
0x8f: {  	v11 =	vadd.f32 v27, v11;
	v12 =	vadd.f32 v23, v12;
	v23 =	vadd.s32 s22, v50;
	v55 =	vld.idx.msk [tilespmem:v38+s13+$0x0], $0xffff  }
0x90: {  	v24 =	vor.u32 v45, v24;
	v15 =	vadd.f32 v42, v15;
	v19 =	vor.u32 v19, v23;
	v17 =	vld.idx.msk [tilespmem:v17+s13+$0x0], $0xffff  }
0x91: {  	v23 =	vadd.s32 s22, v53;
	v11 =	vadd.f32 v46, v11;
	v12 =	vadd.f32 v48, v12;
	v57 =	vld.idx.msk [tilespmem:v33+s13+$0x0], $0xffff  }
0x92: {  	v13 =	vld.idx.msk [tilespmem:v13+s13+$0x0], $0xffff;
	v10 =	vadd.f32 v16, v10;
	v8 =	vor.u32 v8, v23;
	v16 =	vadd.s32 s22, v56  }
0x93: {  	v6 =	vor.u32 v6, v16;
	v14 =	vld.idx.msk [tilespmem:v14+s13+$0x0], $0xffff;
	v16 =	vadd.s32 s22, v58;
	v11 =	vadd.f32 v52, v11  }
0x94: {  	v18 =	vld.idx.msk [tilespmem:v18+s13+$0x0], $0xffff;
	v15 =	vadd.f32 v51, v15;
	v12 =	vadd.f32 v54, v12;
	v4 =	vor.u32 v4, v16  }
0x95: {  	v16 =	vadd.s32 s22, v59;
	v60 =	vld.idx.msk [tilespmem:v24+s13+$0x0], $0xffff;
	v10 =	vadd.f32 v55, v10;
	v11 =	vadd.f32 v61, v11  }
0x96: {  	v3 =	vor.u32 v3, v16;
	v12 =	vadd.f32 v17, v12;
	v61 =	vld.idx.msk [tilespmem:v22+s13+$0x0], $0xffff;
	v15 =	vadd.f32 v57, v15  }
0x97: {  	v62 =	vld.idx.msk [tilespmem:v19+s13+$0x0], $0xffff;
	v10 =	vadd.f32 v41, v10;
	v11 =	vadd.f32 v32, v11  }
0x98: {  	v8 =	vld.idx.msk [tilespmem:v8+s13+$0x0], $0xffff;
	v12 =	vadd.f32 v13, v12;
	v14 =	vadd.f32 v14, v15  }
0x99: {  	v6 =	vld.idx.msk [tilespmem:v6+s13+$0x0], $0xffff;
	v10 =	vadd.f32 v44, v10;
	v11 =	vadd.f32 v18, v11  }
0x9a: {  	v4 =	vld.idx.msk [tilespmem:v4+s13+$0x0], $0xffff;
	v12 =	vadd.f32 v60, v12;
	v63 =	vadd.f32 v39, v14  }
0x9b: {  	v3 =	vld.idx.msk [tilespmem:v3+s13+$0x0], $0xffff;
	v10 =	vadd.f32 v43, v10;
	v11 =	vadd.f32 v21, v11  }
0x9c: {  	v12 =	vadd.f32 v62, v12;
	v13 =	vadd.f32 v61, v63  }
0x9d: {  	v9 =	vadd.f32 v9, v10;
	v7 =	vadd.f32 v7, v11  }
0x9e: {  	v2 =	vnsel vm0, $0x0, v2;
	v6 =	vadd.f32 v6, v12;
	v8 =	vadd.f32 v8, v13  }
0x9f: {  	v5 =	vadd.f32 v5, v9;
	v2 =	vadd.f32 v2, v7  }
0xa0: {  	v3 =	vadd.f32 v3, v6;
	v4 =	vadd.f32 v4, v8;
	_ =	sdelay $0x1  }
0xa1: {  	v2 =	vadd.f32 v2, v3;
	v4 =	vadd.f32 v4, v5;
	_ =	sdelay $0x1  }
0xa2: {  	s23 =	simm.s32 $0xFD50;
	s24 =	simm.s32 $0xFD50;
	s22 =	simm.s32 $0x1;
	v2 =	vadd.f32 v2, v4  }
.LBB2_2:
0xa3: {  	_ = 	snop  }
0xa4: {  	s21 =	sadd.s32 $0x3E8, s21;
	[tilespmem:s24+$0x0] =	vst v2  }
0xa5: {  	v2 =	vld [tilespmem:s21+$0xFFFFFE50]  }
0xa6: {  	v10 =	vld [tilespmem:s21+$0xFFFFFE30]  }
0xa7: {  	v3 =	vld [tilespmem:s21+$0xFFFFFE40]  }
0xa8: {  	v4 =	vld [tilespmem:s21+$0xFFFFFE60]  }
0xa9: {  	v5 =	vld [tilespmem:s21+$0xFFFFFE90]  }
0xaa: {  	v7 =	vld [tilespmem:s21+$0xFFFFFE70]  }
0xab: {  	v9 =	vld [tilespmem:s21+$0xFFFFFE80]  }
0xac: {  	v11 =	vld [tilespmem:s21+$0xFFFFFEA0]  }
0xad: {  	v30 =	vld [tilespmem:s21+$0xFFFFFED0]  }
0xae: {  	s25 =	smov.u32 s22;
	v13 =	vld [tilespmem:s21+$0xFFFFFEB0]  }
0xaf: {  	s25 =	sshll.u32 s25, $0xA;
	v15 =	vld [tilespmem:s21+$0xFFFFFEC0];
	v8 =	vand.u32 $0xFFFFFFF8, v10;
	v29 =	vand.u32 $0xFFFFFFF8, v3;
	v3 =	vand.u32 $0x7, v3  }
0xb0: {  	v23 =	vld [tilespmem:s21+$0x1E0];
	v35 =	vand.u32 $0xFFFFFFF8, v5;
	v12 =	vadd.s32 s25, v8;
	v8 =	vadd.s32 s25, v29  }
0xb1: {  	v38 =	vld [tilespmem:s21+$0xFFFFFF10];
	v5 =	vand.u32 $0x7, v5;
	v3 =	vor.u32 v3, v8;
	v8 =	vadd.s32 s25, v35  }
0xb2: {  	v18 =	vld [tilespmem:s21+$0x1F0];
	v5 =	vor.u32 v5, v8  }
0xb3: {  	v28 =	vld [tilespmem:s21+$0x1C0]  }
0xb4: {  	v44 =	vld [tilespmem:s21+$0xFFFFFF60]  }
0xb5: {  	v46 =	vld [tilespmem:s21+$0x1B0]  }
0xb6: {  	v22 =	vld [tilespmem:s21+$0x1A0];
	v39 =	vand.u32 $0xFFFFFFF8, v13  }
0xb7: {  	v13 =	vand.u32 $0x7, v13;
	v19 =	vadd.s32 s25, v39;
	v0 =	vld.idx.msk [tilespmem:v5+s13+$0x0], $0xffff  }
0xb8: {  	v49 =	vld [tilespmem:s21+$0xFFFFFEE0];
	v6 =	vand.u32 $0xFFFFFFF8, v2;
	v40 =	vor.u32 v13, v19  }
0xb9: {  	v51 =	vld [tilespmem:s21+$0xFFFFFEF0];
	v2 =	vand.u32 $0x7, v2;
	v6 =	vadd.s32 s25, v6  }
0xba: {  	v53 =	vld [tilespmem:s21+$0xFFFFFF00];
	v31 =	vor.u32 v2, v6;
	v2 =	vand.u32 $0x7, v4;
	v4 =	vand.u32 $0xFFFFFFF8, v4  }
0xbb: {  	v21 =	vld [tilespmem:s21+$0xFFFFFF20];
	v4 =	vadd.s32 s25, v4  }
0xbc: {  	v24 =	vld [tilespmem:s21+$0xFFFFFF50];
	v16 =	vand.u32 $0xFFFFFFF8, v9;
	[tilespmem:$0x1FEF0] =	vst v0;
	v0 =	vor.u32 v2, v4  }
0xbd: {  	v9 =	vand.u32 $0x7, v9;
	v20 =	vand.u32 $0xFFFFFFF8, v15;
	v36 =	vadd.s32 s25, v16;
	[tilespmem:$0x1FEC0] =	vst v0;
	v0 =	vld.idx.msk [tilespmem:v40+s13+$0x0], $0xffff  }
0xbe: {  	v25 =	vld [tilespmem:s21+$0xFFFFFF30];
	v43 =	vand.u32 $0x7, v15;
	v41 =	vadd.s32 s25, v20;
	v9 =	vor.u32 v9, v36  }
0xbf: {  	v58 =	vld [tilespmem:s21+$0xFFFFFF90];
	v13 =	vor.u32 v43, v41  }
0xc0: {  	v32 =	vld [tilespmem:s21+$0xFFFFFF70];
	v14 =	vand.u32 $0xFFFFFFF8, v7;
	v37 =	vand.u32 $0xFFFFFFF8, v11;
	v17 =	vand.u32 $0x7, v30  }
0xc1: {  	v45 =	vand.u32 $0x3FF, v18;
	v47 =	vand.u32 $0xFFFFFFF8, v23;
	v15 =	vld [tilespmem:s21+$0x130];
	v2 =	vand.u32 $0xFFFFFFF8, v28  }
0xc2: {  	v50 =	vand.u32 $0xFFFFFFF8, v46;
	v52 =	vand.u32 $0xFFFFFFF8, v22;
	v3 =	vld.idx.msk [tilespmem:v3+s13+$0x0], $0xffff;
	[tilespmem:$0x1FF00] =	vst v0;
	v0 =	vadd.s32 s25, v2  }
0xc3: {  	v54 =	vand.u32 $0xFFFFFFF8, v49;
	v55 =	vand.u32 $0xFFFFFFF8, v38;
	v9 =	vld.idx.msk [tilespmem:v9+s13+$0x0], $0xffff;
	[tilespmem:$0x1FF80] =	vst v0;
	v0 =	vadd.s32 s25, v47  }
0xc4: {  	v33 =	vand.u32 $0x7, v21;
	v34 =	vand.u32 $0x7, v53;
	v6 =	vand.u32 $0xFFFFFFF8, v30;
	[tilespmem:$0x1FF90] =	vst v0;
	v0 =	vld.idx.msk [tilespmem:v13+s13+$0x0], $0xffff  }
0xc5: {  	v10 =	vand.u32 $0x7, v10;
	v16 =	vand.u32 $0x7, v38;
	v29 =	vld [tilespmem:s21+$0xFFFFFF40];
	v6 =	vadd.s32 s25, v6  }
0xc6: {  	v38 =	vld [tilespmem:s21+$0xFFFFFF80];
	v35 =	vand.u32 $0x7, v7;
	v7 =	vor.u32 v17, v6;
	v6 =	vor.u32 s25, v45  }
0xc7: {  	v30 =	vand.u32 $0xFFFFFFF8, v53;
	v43 =	vld [tilespmem:s21+$0x1D0];
	v10 =	vor.u32 v10, v12;
	v48 =	vadd.f32 $0.0e+00, v3  }
0xc8: {  	v60 =	vand.u32 $0xFFFFFFF8, v25;
	v53 =	vld [tilespmem:s21+$0xFFFFFFA0];
	v8 =	vadd.s32 s25, v37;
	v57 =	vadd.s32 s25, v30  }
0xc9: {  	v37 =	vadd.s32 s25, v60;
	v60 =	vld [tilespmem:s21+$0x10];
	v34 =	vor.u32 v34, v57;
	[tilespmem:$0x1FED0] =	vst v0;
	v0 =	vadd.f32 v9, v48  }
0xca: {  	v21 =	vand.u32 $0xFFFFFFF8, v21;
	v59 =	vand.u32 $0xFFFFFFF8, v24;
	v24 =	vand.u32 $0x7, v24;
	v57 =	vld [tilespmem:s21+$0xFFFFFFC0]  }
0xcb: {  	v62 =	vand.u32 $0x7, v25;
	v19 =	vand.u32 $0x7, v46;
	v9 =	vadd.s32 s25, v50;
	[tilespmem:$0x1FEE0] =	vst v0;
	v0 =	vld.idx.msk [tilespmem:v6+s13+$0x0], $0xff  }
0xcc: {  	v36 =	vadd.s32 s25, v59;
	v41 =	vand.u32 $0x7, v32;
	v10 =	vld.idx.msk [tilespmem:v10+s13+$0x0], $0xffff;
	v9 =	vor.u32 v19, v9  }
0xcd: {  	v45 =	vadd.s32 s25, v21;
	v61 =	vand.u32 $0xFFFFFFF8, v29;
	v7 =	vld.idx.msk [tilespmem:v7+s13+$0x0], $0xffff;
	v40 =	vand.u32 $0xFFFFFFF8, v32  }
0xce: {  	v34 =	vld.idx.msk [tilespmem:v34+s13+$0x0], $0xffff;
	v32 =	vor.u32 v24, v36;
	v36 =	vor.u32 v33, v45;
	v33 =	vor.u32 v62, v37  }
0xcf: {  	v29 =	vand.u32 $0x7, v29;
	v63 =	vadd.s32 s25, v61;
	v5 =	vand.u32 $0x7, v49;
	v3 =	vld [tilespmem:s21+$0xD0]  }
0xd0: {  	v4 =	vor.u32 v29, v63;
	v29 =	vld [tilespmem:s21+$0xFFFFFFE0];
	v19 =	vadd.s32 s25, v54;
	[tilespmem:$0x1FFD0] =	vst v0;
	v0 =	vadd.s32 s25, v52  }
0xd1: {  	v19 =	vor.u32 v5, v19;
	[tilespmem:$0x1FF70] =	vst v0;
	v0 =	vld.idx.msk [tilespmem:v9+s13+$0x0], $0xffff  }
0xd2: {  	v2 =	vld [tilespmem:s21+$0x110]  }
0xd3: {  	v33 =	vld.idx.msk [tilespmem:v33+s13+$0x0], $0xffff  }
0xd4: {  	v26 =	vand.u32 $0xFFFFFFF8, v51;
	v47 =	vld [tilespmem:s21+$0x90]  }
0xd5: {  	v42 =	vadd.s32 s25, v14;
	v26 =	vadd.s32 s25, v26;
	v48 =	vld [tilespmem:s21+$0x170];
	v5 =	vadd.s32 s25, v55  }
0xd6: {  	v39 =	vand.u32 $0x7, v44;
	v14 =	vand.u32 $0xFFFFFFF8, v44;
	v16 =	vor.u32 v16, v5;
	[tilespmem:$0x1FFC0] =	vst v0;
	v0 =	vld.idx.msk [tilespmem:v19+s13+$0x0], $0xffff  }
0xd7: {  	v14 =	vadd.s32 s25, v14;
	v30 =	vand.u32 $0x7, v58;
	v40 =	vadd.s32 s25, v40;
	v54 =	vld [tilespmem:s21+$0xFFFFFFD0]  }
0xd8: {  	v18 =	vand.u32 $0xFFFFFFF8, v38;
	v6 =	vor.u32 v41, v40;
	v41 =	vld [tilespmem:s21+$0x180];
	v5 =	vand.u32 $0xFFFFFFF8, v58  }
0xd9: {  	v44 =	vand.u32 $0xFFFFFFF8, v53;
	v58 =	vand.u32 $0x7, v53;
	v53 =	vld.idx.msk [tilespmem:v31+s13+$0x0], $0xffff;
	v25 =	vadd.s32 s25, v5  }
0xda: {  	v20 =	vadd.s32 s25, v18;
	v13 =	vand.u32 $0x7, v51;
	v5 =	vld [tilespmem:s21+$0x190];
	v25 =	vor.u32 v30, v25  }
0xdb: {  	v56 =	vor.u32 v13, v26;
	v30 =	vor.u32 v39, v14;
	v55 =	vand.u32 $0xFFFFFFF8, v48;
	[tilespmem:$0x1FF20] =	vst v0;
	v0 =	vld.idx.msk [tilespmem:v16+s13+$0x0], $0xffff  }
0xdc: {  	v14 =	vand.u32 $0x7, v48;
	v48 =	vld [tilespmem:s21+$0x0];
	v61 =	vand.u32 $0xFFFFFFF8, v54;
	v19 =	vand.u32 $0x7, v38  }
0xdd: {  	v39 =	vadd.s32 s25, v61;
	v61 =	vld [tilespmem:s21+$0xFFFFFE10];
	v46 =	vor.u32 v19, v20  }
0xde: {  	v11 =	vand.u32 $0x7, v11;
	v9 =	vadd.s32 s25, v55;
	v55 =	vld [tilespmem:s21+$0x100]  }
0xdf: {  	v27 =	vor.u32 v11, v8;
	v25 =	vld.idx.msk [tilespmem:v25+s13+$0x0], $0xffff  }
0xe0: {  	[tilespmem:$0x1FF10] =	vst v0;
	v0 =	vld.idx.msk [tilespmem:v56+s13+$0x0], $0xffff  }
0xe1: {  	v49 =	vand.u32 $0xFFFFFFF8, v43;
	v56 =	vld [tilespmem:s21+$0xFFFFFFB0]  }
0xe2: {  	v17 =	vand.u32 $0xFFFFFFF8, v15;
	v51 =	vand.u32 $0x7, v43;
	v52 =	vadd.s32 s25, v49;
	v26 =	vld.idx.msk [tilespmem:v46+s13+$0x0], $0xffff  }
0xe3: {  	v43 =	vand.u32 $0x7, v57;
	v37 =	vor.u32 v51, v52;
	v51 =	vand.u32 $0xFFFFFFF8, v48;
	v46 =	vld [tilespmem:s21+$0xFFFFFFF0]  }
0xe4: {  	v49 =	vand.u32 $0xFFFFFFF8, v57;
	v11 =	vadd.s32 s25, v51;
	v51 =	vand.u32 $0x7, v15;
	v15 =	vld.idx.msk [tilespmem:v27+s13+$0x0], $0xffff  }
0xe5: {  	v49 =	vadd.s32 s25, v49;
	v14 =	vor.u32 v14, v9;
	v9 =	vand.u32 $0x7, v48;
	[tilespmem:$0x1FF30] =	vst v0;
	v0 =	vld.idx.msk [tilespmem:v4+s13+$0x0], $0xffff  }
0xe6: {  	v48 =	vor.u32 v9, v11;
	v11 =	vld [tilespmem:s21+$0xC0];
	v38 =	vand.u32 $0x7, v54;
	v45 =	vand.u32 $0xFFFFFFF8, v56  }
0xe7: {  	v54 =	vld [tilespmem:s21+$0x160];
	v1 =	vand.u32 $0xFFFFFFF8, v55;
	v40 =	vand.u32 $0x7, v56;
	v45 =	vadd.s32 s25, v45  }
0xe8: {  	v20 =	vand.u32 $0x7, v55;
	v55 =	vld [tilespmem:s21+$0xB0];
	v8 =	vand.u32 $0xFFFFFFF8, v46;
	v40 =	vor.u32 v40, v45  }
0xe9: {  	v62 =	vor.u32 v43, v49;
	v52 =	vadd.s32 s25, v8;
	v8 =	vld [tilespmem:s21+$0x80]  }
0xea: {  	[tilespmem:$0x1FF40] =	vst v0;
	v0 =	vld.idx.msk [tilespmem:v6+s13+$0x0], $0xffff  }
0xeb: {  	v56 =	vld [tilespmem:s21+$0x140]  }
0xec: {  	v4 =	vand.u32 $0xFFFFFFF8, v60;
	v45 =	vor.u32 v38, v39;
	v6 =	vand.u32 $0x7, v60;
	v60 =	vld [tilespmem:s21+$0x120]  }
0xed: {  	v43 =	vadd.s32 s25, v4;
	v39 =	vld.idx.msk [tilespmem:v40+s13+$0x0], $0xffff  }
0xee: {  	v50 =	vand.u32 $0xFFFFFFF8, v41;
	v43 =	vor.u32 v6, v43;
	v40 =	vld.idx.msk [tilespmem:v62+s13+$0x0], $0xffff  }
0xef: {  	v42 =	vor.u32 v35, v42;
	v62 =	vld [tilespmem:s21+$0xF0];
	[tilespmem:$0x1FF50] =	vst v0;
	v0 =	vadd.s32 s25, v50  }
0xf0: {  	[tilespmem:$0x1FF60] =	vst v0;
	v0 =	vld.idx.msk [tilespmem:v37+s13+$0x0], $0xffff  }
0xf1: {  	v63 =	vand.u32 $0xFFFFFFF8, v29;
	v45 =	vld.idx.msk [tilespmem:v45+s13+$0x0], $0xffff  }
0xf2: {  	v50 =	vadd.s32 s25, v63;
	v63 =	vld [tilespmem:s21+$0xE0]  }
0xf3: {  	v59 =	vadd.s32 s25, v44;
	v16 =	vand.u32 $0xFFFFFFF8, v56;
	v44 =	vld.idx.msk [tilespmem:v43+s13+$0x0], $0xffff  }
0xf4: {  	v10 =	vadd.f32 $0.0e+00, v10;
	v37 =	vor.u32 v58, v59;
	v43 =	vadd.s32 s25, v16;
	v16 =	vld.idx.msk [tilespmem:v42+s13+$0x0], $0xffff  }
0xf5: {  	v29 =	vand.u32 $0x7, v29;
	v1 =	vadd.s32 s25, v1;
	[tilespmem:$0x1FFB0] =	vst v0;
	v0 =	vld.idx.msk [tilespmem:v14+s13+$0x0], $0xffff;
	v14 =	vand.u32 $0xFFFFFFF8, v5  }
0xf6: {  	v49 =	vand.u32 $0x7, v5;
	v1 =	vor.u32 v20, v1;
	v59 =	vld [tilespmem:s21+$0x150];
	v31 =	vadd.s32 s25, v14  }
0xf7: {  	v58 =	vld [tilespmem:s21+$0x70];
	v29 =	vor.u32 v29, v50;
	v21 =	vand.u32 $0xFFFFFFF8, v62;
	v31 =	vor.u32 v49, v31  }
0xf8: {  	v50 =	vld [tilespmem:$0x1FF30];
	v42 =	vadd.s32 s25, v21;
	v24 =	vand.u32 $0xFFFFFFF8, v63;
	v49 =	vadd.s32 s25, v17  }
0xf9: {  	v37 =	vld.idx.msk [tilespmem:v37+s13+$0x0], $0xffff;
	v5 =	vand.u32 $0xFFFFFFF8, v2;
	v14 =	vand.u32 $0xFFFFFFF8, v8;
	v57 =	vor.u32 v51, v49  }
0xfa: {  	v10 =	vadd.f32 v16, v10;
	v16 =	vld.idx.msk [tilespmem:v32+s13+$0x0], $0xffff;
	v8 =	vand.u32 $0x7, v8;
	v14 =	vadd.s32 s25, v14  }
0xfb: {  	v8 =	vor.u32 v8, v14;
	[tilespmem:$0x1FFA0] =	vst v0;
	v0 =	vand.u32 $0x7, v62;
	v62 =	vadd.s32 s25, v24;
	v24 =	vld.idx.msk [tilespmem:v1+s13+$0x0], $0xffff  }
0xfc: {  	v2 =	vand.u32 $0x7, v2;
	v4 =	vor.u32 v0, v42;
	v42 =	vadd.s32 s25, v5;
	v31 =	vld.idx.msk [tilespmem:v31+s13+$0x0], $0xffff  }
0xfd: {  	v2 =	vor.u32 v2, v42;
	v42 =	vld [tilespmem:s21+$0xFFFFFE20]  }
0xfe: {  	v13 =	vand.u32 $0xFFFFFFF8, v54;
	v19 =	vand.u32 $0xFFFFFFF8, v59;
	v0 =	vand.u32 $0xFFFFFFF8, v11;
	v35 =	vld.idx.msk [tilespmem:v57+s13+$0x0], $0xffff  }
0xff: {  	v51 =	vadd.s32 s25, v19;
	v19 =	vadd.s32 s25, v0;
	v0 =	vand.u32 $0xFFFFFFF8, v55;
	v57 =	vld [tilespmem:s21+$0xA0]  }
0x100: {  	v55 =	vand.u32 $0x7, v55;
	v6 =	vadd.s32 s25, v0;
	v0 =	vand.u32 $0xFFFFFFF8, v3;
	v8 =	vld.idx.msk [tilespmem:v8+s13+$0x0], $0xffff  }
0x101: {  	v3 =	vand.u32 $0x7, v3;
	v1 =	vadd.s32 s25, v0;
	v0 =	vand.u32 $0xFFFFFFF8, v61;
	v21 =	vld.idx.msk [tilespmem:v4+s13+$0x0], $0xffff  }
0x102: {  	v55 =	vor.u32 v55, v6;
	v0 =	vadd.s32 s25, v0;
	v20 =	vld.idx.msk [tilespmem:v2+s13+$0x0], $0xffff;
	v2 =	vand.u32 $0x7, v61  }
0x103: {  	v38 =	vadd.s32 s25, v13;
	v5 =	vor.u32 v3, v1;
	v61 =	vld [tilespmem:s21+$0x30];
	v4 =	vor.u32 v2, v0  }
0x104: {  	v13 =	vand.u32 $0x7, v42;
	v9 =	vand.u32 $0xFFFFFFF8, v57;
	v2 =	vand.u32 $0xFFFFFFF8, v42;
	v42 =	vld [tilespmem:s21+$0x60]  }
0x105: {  	v27 =	vand.u32 $0x7, v22;
	v18 =	vand.u32 $0xFFFFFFF8, v60;
	v17 =	vadd.s32 s25, v9;
	v9 =	vld [tilespmem:s21+$0x40]  }
0x106: {  	v49 =	vadd.s32 s25, v18;
	v3 =	vld [tilespmem:s21+$0x50];
	v0 =	vand.u32 $0xFFFFFFF8, v58;
	v2 =	vadd.s32 s25, v2  }
0x107: {  	v58 =	vand.u32 $0x7, v58;
	v55 =	vld.idx.msk [tilespmem:v55+s13+$0x0], $0xffff;
	v6 =	vor.u32 v13, v2;
	v13 =	vadd.s32 s25, v0  }
0x108: {  	v0 =	vand.u32 $0xFFFFFFF8, v47;
	v47 =	vand.u32 $0x7, v47;
	v18 =	vand.u32 $0xFFFFFFF8, v61;
	v4 =	vld.idx.msk [tilespmem:v4+s13+$0x0], $0xffff  }
0x109: {  	v1 =	vadd.s32 s25, v0;
	v13 =	vor.u32 v58, v13;
	v22 =	vadd.s32 s25, v18;
	v18 =	vld.idx.msk [tilespmem:v5+s13+$0x0], $0xffff  }
0x10a: {  	v2 =	vor.u32 v47, v1;
	v0 =	vand.u32 $0xFFFFFFF8, v42;
	v5 =	vld [tilespmem:$0x1FED0];
	v12 =	vand.u32 $0xFFFFFFF8, v9  }
0x10b: {  	v42 =	vand.u32 $0x7, v42;
	v1 =	vadd.s32 s25, v0;
	v47 =	vadd.s32 s25, v12;
	v12 =	vld [tilespmem:$0x1FEE0]  }
0x10c: {  	v6 =	vld.idx.msk [tilespmem:v6+s13+$0x0], $0xffff;
	v1 =	vor.u32 v42, v1  }
0x10d: {  	v42 =	vld [tilespmem:$0x1FEC0]  }
0x10e: {  	v13 =	vld.idx.msk [tilespmem:v13+s13+$0x0], $0xffff  }
0x10f: {  	v0 =	vand.u32 $0xFFFFFFF8, v3;
	v9 =	vand.u32 $0x7, v9;
	v2 =	vld.idx.msk [tilespmem:v2+s13+$0x0], $0xffff  }
0x110: {  	v9 =	vor.u32 v9, v47;
	v12 =	vadd.f32 v5, v12;
	v5 =	vadd.s32 s25, v0;
	v0 =	vld [tilespmem:s21+$0x20]  }
0x111: {  	v3 =	vand.u32 $0x7, v3;
	v1 =	vld.idx.msk [tilespmem:v1+s13+$0x0], $0xffff  }
0x112: {  	v4 =	vadd.f32 $0.0e+00, v4;
	v3 =	vor.u32 v3, v5;
	v5 =	vadd.f32 $0.0e+00, v6;
	v6 =	vld.idx.msk [tilespmem:v36+s13+$0x0], $0xffff  }
0x113: {  	v36 =	vand.u32 $0x7, v61;
	v61 =	vld [tilespmem:$0x1FEF0]  }
0x114: {  	v4 =	vadd.f32 v53, v4;
	v53 =	vand.u32 $0x7, v46;
	v46 =	vld [tilespmem:$0x1FF20]  }
0x115: {  	v63 =	vand.u32 $0x7, v63;
	v9 =	vld.idx.msk [tilespmem:v9+s13+$0x0], $0xffff  }
0x116: {  	v22 =	vor.u32 v36, v22;
	v36 =	vor.u32 v63, v62;
	v62 =	vld [tilespmem:$0x1FFC0]  }
0x117: {  	v42 =	vld.idx.msk [tilespmem:v42+s13+$0x0], $0xffff  }
0x118: {  	v4 =	vadd.f32 v61, v4;
	v61 =	vld [tilespmem:$0x1FF00]  }
0x119: {  	v63 =	vld [tilespmem:$0x1FFD0]  }
0x11a: {  	v32 =	vor.u32 v53, v52;
	v52 =	vand.u32 $0xFFFFFFF8, v0;
	v3 =	vld.idx.msk [tilespmem:v3+s13+$0x0], $0xffff  }
0x11b: {  	v53 =	vadd.s32 s25, v52;
	v52 =	vld.idx.msk [tilespmem:v48+s13+$0x0], $0xffff  }
0x11c: {  	v0 =	vand.u32 $0x7, v0;
	v5 =	vadd.f32 v42, v5;
	v42 =	vld [tilespmem:$0x1FF10]  }
0x11d: {  	v54 =	vand.u32 $0x7, v54;
	v0 =	vor.u32 v0, v53;
	v53 =	vld.idx.msk [tilespmem:v29+s13+$0x0], $0xffff;
	v10 =	vadd.f32 v61, v10  }
0x11e: {  	v47 =	vor.u32 v54, v38;
	v12 =	vadd.f32 v34, v12;
	v29 =	vld [tilespmem:$0x1FF40];
	v5 =	vadd.f32 v15, v5  }
0x11f: {  	v11 =	vand.u32 $0x7, v11;
	v34 =	vld.idx.msk [tilespmem:v22+s13+$0x0], $0xffff;
	v4 =	vadd.f32 v7, v4;
	v10 =	vadd.f32 v50, v10  }
0x120: {  	v11 =	vor.u32 v11, v19;
	v7 =	vld.idx.msk [tilespmem:v30+s13+$0x0], $0xffff;
	v5 =	vadd.f32 v46, v5  }
0x121: {  	v4 =	vadd.f32 v42, v4;
	v58 =	vadd.f32 v33, v10;
	v33 =	vld [tilespmem:$0x1FF50]  }
0x122: {  	v57 =	vand.u32 $0x7, v57;
	v61 =	vld.idx.msk [tilespmem:v32+s13+$0x0], $0xffff  }
0x123: {  	v32 =	vor.u32 v57, v17;
	v57 =	vld.idx.msk [tilespmem:v47+s13+$0x0], $0xffff;
	v5 =	vadd.f32 v6, v5;
	v4 =	vadd.f32 v16, v4  }
0x124: {  	v56 =	vand.u32 $0x7, v56;
	v60 =	vand.u32 $0x7, v60;
	v12 =	vadd.f32 v29, v12;
	v0 =	vld.idx.msk [tilespmem:v0+s13+$0x0], $0xffff  }
0x125: {  	v59 =	vand.u32 $0x7, v59;
	v46 =	vld.idx.msk [tilespmem:v11+s13+$0x0], $0xffff;
	v5 =	vadd.f32 v7, v5;
	v4 =	vadd.f32 v25, v4  }
0x126: {  	v42 =	vor.u32 v60, v49;
	v50 =	vld [tilespmem:$0x1FF60];
	v12 =	vadd.f32 v26, v12;
	v6 =	vadd.f32 v33, v58  }
0x127: {  	v5 =	vadd.f32 v37, v5;
	v4 =	vadd.f32 v45, v4;
	v45 =	vor.u32 v56, v43;
	v56 =	vld [tilespmem:$0x1FF90]  }
0x128: {  	v12 =	vadd.f32 v40, v12;
	v6 =	vadd.f32 v39, v6;
	v39 =	vor.u32 v59, v51;
	v51 =	vld [tilespmem:$0x1FF70]  }
0x129: {  	v23 =	vand.u32 $0x7, v23;
	v5 =	vadd.f32 v53, v5;
	v53 =	vld [tilespmem:$0x1FF80];
	v4 =	vadd.f32 v44, v4  }
0x12a: {  	v41 =	vand.u32 $0x7, v41;
	v12 =	vadd.f32 v52, v12;
	v44 =	vld.idx.msk [tilespmem:v32+s13+$0x0], $0xffff;
	v6 =	vadd.f32 v61, v6  }
0x12b: {  	v49 =	vld.idx.msk [tilespmem:v36+s13+$0x0], $0xffff;
	v7 =	vor.u32 v41, v50;
	v0 =	vadd.f32 v0, v5;
	v3 =	vadd.f32 v3, v4  }
0x12c: {  	v28 =	vand.u32 $0x7, v28;
	v60 =	vld [tilespmem:$0x1FFA0];
	v9 =	vadd.f32 v9, v12;
	v48 =	vadd.f32 v34, v6  }
0x12d: {  	v52 =	vld.idx.msk [tilespmem:v42+s13+$0x0], $0xffff;
	v0 =	vadd.f32 v1, v0;
	v2 =	vadd.f32 v2, v3;
	v12 =	vor.u32 v27, v51  }
0x12e: {  	v8 =	vadd.f32 v8, v9;
	v3 =	vld.idx.msk [tilespmem:v39+s13+$0x0], $0xffff;
	v1 =	vadd.f32 v13, v48;
	v13 =	vor.u32 v28, v53  }
0x12f: {  	v54 =	vld.idx.msk [tilespmem:v45+s13+$0x0], $0xffff;
	v14 =	vor.u32 v23, v56;
	v0 =	vadd.f32 v44, v0;
	v2 =	vadd.f32 v18, v2  }
0x130: {  	v7 =	vld.idx.msk [tilespmem:v7+s13+$0x0], $0xffff;
	v4 =	vadd.f32 v46, v8;
	v1 =	vadd.f32 v55, v1  }
0x131: {  	v61 =	vld [tilespmem:$0x1FFB0];
	v0 =	vadd.f32 v49, v0;
	v2 =	vadd.f32 v20, v2  }
0x132: {  	v4 =	vadd.f32 v24, v4;
	v1 =	vadd.f32 v21, v1;
	v58 =	vld.idx.msk [tilespmem:v12+s13+$0x0], $0xffff  }
0x133: {  	v0 =	vadd.f32 v52, v0;
	v2 =	vadd.f32 v3, v2;
	v3 =	vld.idx.msk [tilespmem:v13+s13+$0x0], $0xffff  }
0x134: {  	v59 =	vld.idx.msk [tilespmem:v14+s13+$0x0], $0xffff;
	v4 =	vadd.f32 v54, v4;
	v1 =	vadd.f32 v35, v1  }
0x135: {  	v0 =	vadd.f32 v57, v0;
	v2 =	vadd.f32 v31, v2  }
0x136: {  	v4 =	vadd.f32 v7, v4;
	v1 =	vadd.f32 v60, v1  }
0x137: {  	v2 =	vadd.f32 v61, v2;
	v0 =	vadd.f32 v58, v0  }
0x138: {  	p0 =	sne.s32 s22, $0x1F;
	v6 =	vnsel vm0, $0x0, v63;
	v1 =	vadd.f32 v62, v1;
	v3 =	vadd.f32 v3, v4  }
.Ltmp0:
0x139: {  	v2 =	vadd.f32 v6, v2;
	v0 =	vadd.f32 v59, v0;
	(pc) =	sbr.rel @p0 .LBB2_2-.Ltmp0, $4  }
0x13a: {  	_ = 	snop  }
0x13b: {  	v1 =	vadd.f32 v3, v1;
	v0 =	vadd.f32 v2, v0  }
0x13c: {  	s23 =	sadd.s32 $0x10, s23  }
0x13d: {  	s22 =	sadd.s32 $0x1, s22;
	s24 =	smov.u32 s23;
	v2 =	vadd.f32 v0, v1  }
0x13e: {  	_ = 	snop  }
0x13f: {  	[tilespmem:s24+$0x0] =	vst v2  }
0x140: {  	_ =	swait.ge [sflag:s16], $0x20  }
0x141: {  	[sflag:s16] =	ssyncset.done $0x0  }
0x142: {  	v1 =	vld [tilespmem:$0x1FFE0];
	[sflag:s16] =	ssyncadd.s32 $0xFFFFFFE0  }
0x143: {  	v0 =	vld [tilespmem:$0x20];
	_ =	sdelay $0x4  }
0x144: {  	v63 =	vld [tilespmem:$0x1FFF0];
	v0 =	vadd.s32 v1, v0  }
0x145: {  	v62 =	vld [tilespmem:$0x30];
	_ =	sdelay $0x3  }
0x146: {  	v0 =	vld.idx.msk [tilespmem:v0+s13+$0x0], $0xffff  }
0x147: {  	v1 =	vadd.s32 v63, v62;
	_ =	sdelay $0x3  }
0x148: {  	[tilespmem:$0xFF50] =	vst v0  }
0x149: {  	v0 =	vld.idx.msk [tilespmem:v1+s13+$0x0], $0xffff;
	_ =	sdelay $0x4  }
0x14a: {  	[tilespmem:$0xFF60] =	vst v0  }
0x14b: {  	[hbm4b:s7+s2] =	stream.linear.scatter [tilespmem:s17], [sflag:$0x5], $0x200, $0x38;
	[tilespmem:$0xFF70] =	vst v63  }
0x14c: {  	s20 =	sadd.s32 $0x1, s20;
	_ =	swait.ge [sflag:s18], $0x200  }
0x14d: {  	p0 =	sne.s32 s20, s9;
	[sflag:s18] =	ssyncset.done $0x0  }
.Ltmp1:
0x14e: {  	[sflag:s18] =	ssyncadd.s32 $0xFFFFFE00;
	(pc) =	sbr.rel @p0 .LBB2_1-.Ltmp1, $4  }
0x14f: {  	[hbm4b:s8+s2] =	stream.linear.scatter [tilespmem:s19], [sflag:$0x5], $0x20, $0x38;
	[tilespmem:$0xFF70] =	vst v63  }
0x150: {  	_ =	swait.ge [sflag:s18], $0x20  }
0x151: {  	[sflag:s18] =	ssyncset.done $0x0  }
0x152: {  	[sflag:s18] =	ssyncadd.s32 $0xFFFFFFE0  }
0x153: {  	_ =	sfence.sel $0x180000  }
0x154: {  	[bflag:$0x0] =	sbarrier.arrive $0xFFFF  }
0x155: {  	p0 =	sne.s32 s0, $0x0;
	_ =	strace $0x90000047  }
0x156: {  	s0 =	sadd.s32 @!p0 $0x100000, s1;
	[bflag:$0x2] =	sbarrier.arrive $0xFFFF  }
0x157: {  	[sflag:s0] =	ssyncadd.tile.s32 @!p0 $0x1;
	_ =	shalt  }
.Lfunc_end2:
_tile_overlayer_lowered:
.L_overlay_start_2:
0x158: {  	(tag) =	ssettag $0x2  }
0x159: {  	s0 =	rddreg [dreg:$0x0];
	s2 =	stileid.u32  }
0x15a: {  	s1 =	rddreg [dreg:$0x1];
	p0 =	sne.s32 s2, $0x0  }
0x15b: {  	s3 =	rddreg [dreg:$0x2];
	[bflag:$0x3] =	sbarrier.arrive $0xFFFF;
	s2 =	simm.s32 @!p0 $0x1C05  }
0x15c: {  	[timem:s3], [sflag:s2] =	dma.local @!p0 [hbm:s0], s1  }
0x15d: {  	s0 =	simm.s32 @!p0 $0x5  }
0x15e: {  	_ =	swait.ge @!p0 [sflag:s0], s1  }
0x15f: {  	s1 =	ssub.s32 @!p0 $0x0, s1;
	[sflag:s0] =	ssyncset.done @!p0 $0x0  }
0x160: {  	[sflag:s0] =	ssyncadd.s32 @!p0 s1  }
0x161: {  	[bflag:$0x3] =	sbarrier.arrive $0xFFFF  }
0x162: {  	_ =	shalt  }

</sc_bundles>
